<compile_context>
chip_gen: v7x
topology: tpu7x:2x2x1
jax: 0.10.2.dev20260603
libtpu: 0.0.44.dev20260713+nightly
codegen_flags: <defaults>
</compile_context>

<pallas_src>
import functools

import jax
import jax.numpy as jnp
from jax import lax
from jax.experimental import pallas as pl
from jax.experimental.pallas import tpu as pltpu
from jax.experimental.pallas import tpu_sc as plsc

_LANES = 16


def _project_body(x_ref, wr_ref, wc_ref, tr_ref, tc_ref):
    xb = x_ref[...]
    tr_ref[...] = jnp.dot(xb, wr_ref[...], preferred_element_type=jnp.float32,
                          precision=lax.Precision.HIGHEST)
    tc_ref[...] = jnp.dot(xb, wc_ref[...], preferred_element_type=jnp.float32,
                          precision=lax.Precision.HIGHEST)


def _project(x, wr, wc):
    n, _ = x.shape
    k = wr.shape[1]
    out = jax.ShapeDtypeStruct((n, k), jnp.float32)
    return pl.pallas_call(_project_body, out_shape=(out, out))(x, wr, wc)


@functools.lru_cache(maxsize=None)
def _make_sc_kernel(e_total: int, c: int, k: int):
    info = plsc.get_sparse_core_info()
    nc, ns = info.num_cores, info.num_subcores
    nw = nc * ns
    assert e_total % nw == 0
    epw = e_total // nw
    assert epw % c == 0 and c % 8 == 0
    n_chunks = epw // c
    edges_per_vec = _LANES // k
    nvec = c // edges_per_vec
    mesh = plsc.VectorSubcoreMesh(core_axis_name="c", subcore_axis_name="s")

    h = k // 2

    @functools.partial(
        pl.kernel,
        out_type=(jax.ShapeDtypeStruct((h, e_total), jnp.float32),
                  jax.ShapeDtypeStruct((h, e_total), jnp.float32)),
        mesh=mesh,
        compiler_params=pltpu.CompilerParams(
            use_tc_tiling_on_sc=False, needs_layout_passes=False),
        scratch_types=[
            pltpu.VMEM((c,), jnp.int32),
            pltpu.VMEM((c,), jnp.int32),
            pltpu.VMEM((c, k), jnp.float32),
            pltpu.VMEM((c, k), jnp.float32),
            pltpu.VMEM((k, c), jnp.float32),
            pltpu.SemaphoreType.DMA,
        ],
    )
    def sc_kernel(tr_hbm, tc_hbm, row_hbm, col_hbm, out_m_hbm, out_v_hbm,
                  idx_r, idx_c, fr, fc, fs, sem):
        wid = lax.axis_index("s") * nc + lax.axis_index("c")
        base = wid * epw
        lane = lax.iota(jnp.int32, _LANES)
        row_off = lax.shift_right_logical(lane, 3)
        col_idx = lax.bitwise_and(lane, k - 1)
        unroll = 4
        assert nvec % unroll == 0
        rows_u = [row_off + 2 * u for u in range(unroll)]
        for ci in range(n_chunks):
            cbase = base + ci * c
            pltpu.sync_copy(row_hbm.at[pl.ds(cbase, c)], idx_r)
            pltpu.sync_copy(col_hbm.at[pl.ds(cbase, c)], idx_c)
            cp1 = pltpu.async_copy(tr_hbm.at[idx_r], fr, sem)
            cp2 = pltpu.async_copy(tc_hbm.at[idx_c], fc, sem)
            cp1.wait()
            cp2.wait()

            def _vec_body(i4, carry):
                ibase = i4 * (edges_per_vec * unroll)
                for u in range(unroll):
                    ivec = rows_u[u] + ibase
                    a = plsc.load_gather(fr, [ivec, col_idx])
                    b = plsc.load_gather(fc, [ivec, col_idx])
                    plsc.store_scatter(fs, [col_idx, ivec], a + b)
                return carry

            lax.fori_loop(0, nvec // unroll, _vec_body, 0)

            pltpu.sync_copy(fs.at[pl.ds(0, h), :], out_m_hbm.at[:, pl.ds(cbase, c)])
            pltpu.sync_copy(fs.at[pl.ds(h, h), :], out_v_hbm.at[:, pl.ds(cbase, c)])

    return sc_kernel


def kernel(x, edge_index, W_mean, W_var):
    n, d = x.shape
    e = edge_index.shape[1]
    m = W_mean.shape[0]
    k = m + W_var.shape[0]
    wr = jnp.concatenate([W_mean[:, :d], W_var[:, :d]], axis=0).T
    wc = jnp.concatenate([W_mean[:, d:], W_var[:, d:]], axis=0).T
    tr, tc = _project(x, wr, wc)
    row = edge_index[0].astype(jnp.int32)
    col = edge_index[1].astype(jnp.int32)
    out_m, out_v = _make_sc_kernel(e, 2000, k)(tr, tc, row, col)
    return out_m.T, out_v.T

# --- scband reference (transcript-rebuilt; emitter-appended) ---
"""Pipeline reference for scband-bayes-concat-sheaf-learner-26817775796922 (READ-ONLY COPY).

The authoritative reference and input builder live on the scoring server;
editing this copy changes nothing except your own understanding.
"""

import jax, jax.numpy as jnp
import numpy as np

N = 10000
E = 320000
D = 128
MEAN_SIZE = 4
VAR_SIZE = 4


def setup_inputs(seed: int = 0) -> dict:
    key = jax.random.key(seed)
    k1, k2, k3, k4 = jax.random.split(key, 4)
    x = jax.random.normal(k1, (N, D), dtype=jnp.float32)
    edge_index = jax.random.randint(k2, (2, E), 0, N)
    # torch.nn.Linear(in_features=2*D, out_features=mean/var_size, bias=False)
    # weight shape is [out_features, in_features]
    bound = 1.0 / np.sqrt(2 * D)
    W_mean = jax.random.uniform(k3, (MEAN_SIZE, 2 * D), dtype=jnp.float32, minval=-bound, maxval=bound)
    W_var = jax.random.uniform(k4, (VAR_SIZE, 2 * D), dtype=jnp.float32, minval=-bound, maxval=bound)
    return {"x": x, "edge_index": edge_index, "W_mean": W_mean, "W_var": W_var}


def reference(x, edge_index, W_mean, W_var):
    row = edge_index[0]
    col = edge_index[1]
    x_row = jnp.take(x, row, axis=0)
    x_col = jnp.take(x, col, axis=0)
    x_cat = jnp.concatenate([x_row, x_col], axis=1)
    maps_mean = x_cat @ W_mean.T
    maps_var = x_cat @ W_var.T
    return (maps_mean, maps_var)

if __name__ == "__main__":
    import jax
    _d = setup_inputs()
    print(jax.jit(kernel)(*tuple(_d.values())))

</pallas_src>

<mosaic_0001>
#map = affine_map<(d0, d1) -> (0, 0)>
#map1 = affine_map<(d0, d1) -> (0)>
module attributes {stable_mosaic.version = 14 : i64} {
  func.func @sc_kernel(%arg0: i32, %arg1: i32, %arg2: memref<10000x8xf32, #tpu.memory_space<hbm>>, %arg3: memref<10000x8xf32, #tpu.memory_space<hbm>>, %arg4: memref<320000xi32, #tpu.memory_space<hbm>>, %arg5: memref<320000xi32, #tpu.memory_space<hbm>>, %arg6: memref<4x320000xf32, #tpu.memory_space<hbm>>, %arg7: memref<4x320000xf32, #tpu.memory_space<hbm>>, %arg8: memref<2000xi32, #tpu.memory_space<vmem>>, %arg9: memref<2000xi32, #tpu.memory_space<vmem>>, %arg10: memref<2000x8xf32, #tpu.memory_space<vmem>>, %arg11: memref<2000x8xf32, #tpu.memory_space<vmem>>, %arg12: memref<8x2000xf32, #tpu.memory_space<vmem>>, %arg13: memref<!tpu.dma_semaphore, #tpu.memory_space<semaphore_mem>>) attributes {dimension_semantics = [#tpu.dimension_semantics<core_parallel>, #tpu.dimension_semantics<subcore_parallel>], iteration_bounds = array<i64: 2, 16>, scalar_prefetch = 0 : i64, scratch_operands = 6 : i64, tpu.core_type = #tpu.core_type<sc_vector_subcore>, window_params = [{transform_indices = #map}, {transform_indices = #map}, {transform_indices = #map1}, {transform_indices = #map1}, {transform_indices = #map}, {transform_indices = #map}]} {
    %mul3A = arith.constant 2 : i32
    %mul3A_0 = arith.muli %arg1, %mul3A : i32
    %add3A = arith.addi %mul3A_0, %arg0 : i32
    %mul3A_1 = arith.constant 10000 : i32
    %mul3A_2 = arith.muli %add3A, %mul3A_1 : i32
    %iota3A = tpu.iota {dimensions = array<i32: 0>} : vector<16xi32>
    %shift_right_logical3A = arith.constant 3 : i32
    %shift_right_logical3A_3 = vector.broadcast %shift_right_logical3A : i32 to vector<16xi32>
    %shift_right_logical3A_4 = arith.shrui %iota3A, %shift_right_logical3A_3 : vector<16xi32>
    %and3A = arith.constant 7 : i32
    %and3A_5 = vector.broadcast %and3A : i32 to vector<16xi32>
    %and3A_6 = arith.andi %iota3A, %and3A_5 : vector<16xi32>
    %add3A_7 = arith.constant 0 : i32
    %add3A_8 = vector.broadcast %add3A_7 : i32 to vector<16xi32>
    %add3A_9 = arith.addi %shift_right_logical3A_4, %add3A_8 : vector<16xi32>
    %add3A_10 = arith.constant 2 : i32
    %add3A_11 = vector.broadcast %add3A_10 : i32 to vector<16xi32>
    %add3A_12 = arith.addi %shift_right_logical3A_4, %add3A_11 : vector<16xi32>
    %add3A_13 = arith.constant 4 : i32
    %add3A_14 = vector.broadcast %add3A_13 : i32 to vector<16xi32>
    %add3A_15 = arith.addi %shift_right_logical3A_4, %add3A_14 : vector<16xi32>
    %add3A_16 = arith.constant 6 : i32
    %add3A_17 = vector.broadcast %add3A_16 : i32 to vector<16xi32>
    %add3A_18 = arith.addi %shift_right_logical3A_4, %add3A_17 : vector<16xi32>
    %add3A_19 = arith.constant 0 : i32
    %add3A_20 = arith.addi %mul3A_2, %add3A_19 : i32
    "tpu.region"() ({
      %run_scoped3A = tpu.sem_alloc : memref<!tpu.dma_semaphore, #tpu.memory_space<semaphore_mem>>
      %dma_start3A_116 = tpu.memref_slice %arg4[%add3A_20] : memref<320000xi32, #tpu.memory_space<hbm>> -> memref<2000xi32, #tpu.memory_space<hbm>>
      %dma_start3A_117 = tpu.memref_slice %arg4[%add3A_20] : memref<320000xi32, #tpu.memory_space<hbm>> -> memref<2000xi32, #tpu.memory_space<hbm>>
      tpu.enqueue_dma source(%dma_start3A_117 : memref<2000xi32, #tpu.memory_space<hbm>>) target(%arg8 : memref<2000xi32, #tpu.memory_space<vmem>>) target_semaphore(%run_scoped3A : memref<!tpu.dma_semaphore, #tpu.memory_space<semaphore_mem>>)
      %dma_wait3A_118 = tpu.memref_slice %arg4[%add3A_20] : memref<320000xi32, #tpu.memory_space<hbm>> -> memref<2000xi32, #tpu.memory_space<hbm>>
      %dma_wait3A_119 = tpu.memref_slice %arg4[%add3A_20] : memref<320000xi32, #tpu.memory_space<hbm>> -> memref<2000xi32, #tpu.memory_space<hbm>>
      tpu.wait_dma2 semaphore(%run_scoped3A : memref<!tpu.dma_semaphore, #tpu.memory_space<semaphore_mem>>) src(%dma_wait3A_119 : memref<2000xi32, #tpu.memory_space<hbm>>) dst(%arg8 : memref<2000xi32, #tpu.memory_space<vmem>>)
      tpu.yield
    }) : () -> ()
    "tpu.region"() ({
      %run_scoped3A = tpu.sem_alloc : memref<!tpu.dma_semaphore, #tpu.memory_space<semaphore_mem>>
      %dma_start3A_116 = tpu.memref_slice %arg5[%add3A_20] : memref<320000xi32, #tpu.memory_space<hbm>> -> memref<2000xi32, #tpu.memory_space<hbm>>
      %dma_start3A_117 = tpu.memref_slice %arg5[%add3A_20] : memref<320000xi32, #tpu.memory_space<hbm>> -> memref<2000xi32, #tpu.memory_space<hbm>>
      tpu.enqueue_dma source(%dma_start3A_117 : memref<2000xi32, #tpu.memory_space<hbm>>) target(%arg9 : memref<2000xi32, #tpu.memory_space<vmem>>) target_semaphore(%run_scoped3A : memref<!tpu.dma_semaphore, #tpu.memory_space<semaphore_mem>>)
      %dma_wait3A_118 = tpu.memref_slice %arg5[%add3A_20] : memref<320000xi32, #tpu.memory_space<hbm>> -> memref<2000xi32, #tpu.memory_space<hbm>>
      %dma_wait3A_119 = tpu.memref_slice %arg5[%add3A_20] : memref<320000xi32, #tpu.memory_space<hbm>> -> memref<2000xi32, #tpu.memory_space<hbm>>
      tpu.wait_dma2 semaphore(%run_scoped3A : memref<!tpu.dma_semaphore, #tpu.memory_space<semaphore_mem>>) src(%dma_wait3A_119 : memref<2000xi32, #tpu.memory_space<hbm>>) dst(%arg9 : memref<2000xi32, #tpu.memory_space<vmem>>)
      tpu.yield
    }) : () -> ()
    %dma_start3A = arith.constant 0 : i32
    %dma_start3A_21 = arith.constant 0 : i32
    %dma_start3A_22 = tpu.memref_slice %arg2[%dma_start3A, %dma_start3A_21] : memref<10000x8xf32, #tpu.memory_space<hbm>> -> memref<10000x8xf32, #tpu.memory_space<hbm>>
    tpu.enqueue_indirect_dma source(%dma_start3A_22 : memref<10000x8xf32, #tpu.memory_space<hbm>>) target(%arg10 : memref<2000x8xf32, #tpu.memory_space<vmem>>) offsets(%arg8 : memref<2000xi32, #tpu.memory_space<vmem>>) semaphore(%arg13 : memref<!tpu.dma_semaphore, #tpu.memory_space<semaphore_mem>>)
    %dma_start3A_23 = arith.constant 0 : i32
    %dma_start3A_24 = arith.constant 0 : i32
    %dma_start3A_25 = tpu.memref_slice %arg3[%dma_start3A_23, %dma_start3A_24] : memref<10000x8xf32, #tpu.memory_space<hbm>> -> memref<10000x8xf32, #tpu.memory_space<hbm>>
    tpu.enqueue_indirect_dma source(%dma_start3A_25 : memref<10000x8xf32, #tpu.memory_space<hbm>>) target(%arg11 : memref<2000x8xf32, #tpu.memory_space<vmem>>) offsets(%arg9 : memref<2000xi32, #tpu.memory_space<vmem>>) semaphore(%arg13 : memref<!tpu.dma_semaphore, #tpu.memory_space<semaphore_mem>>)
    %dma_wait3A = arith.constant 0 : i32
    %dma_wait3A_26 = arith.constant 0 : i32
    %dma_wait3A_27 = tpu.memref_slice %arg2[%dma_wait3A, %dma_wait3A_26] : memref<10000x8xf32, #tpu.memory_space<hbm>> -> memref<10000x8xf32, #tpu.memory_space<hbm>>
    tpu.wait_indirect_dma semaphore(%arg13 : memref<!tpu.dma_semaphore, #tpu.memory_space<semaphore_mem>>) src(%dma_wait3A_27 : memref<10000x8xf32, #tpu.memory_space<hbm>>) dst(%arg10 : memref<2000x8xf32, #tpu.memory_space<vmem>>)
    %dma_wait3A_28 = arith.constant 0 : i32
    %dma_wait3A_29 = arith.constant 0 : i32
    %dma_wait3A_30 = tpu.memref_slice %arg3[%dma_wait3A_28, %dma_wait3A_29] : memref<10000x8xf32, #tpu.memory_space<hbm>> -> memref<10000x8xf32, #tpu.memory_space<hbm>>
    tpu.wait_indirect_dma semaphore(%arg13 : memref<!tpu.dma_semaphore, #tpu.memory_space<semaphore_mem>>) src(%dma_wait3A_30 : memref<10000x8xf32, #tpu.memory_space<hbm>>) dst(%arg11 : memref<2000x8xf32, #tpu.memory_space<vmem>>)
    %scan3A = arith.constant 0 : i32
    %scan3A_31 = arith.constant 0 : i32
    %scan3A_32 = arith.constant 250 : i32
    %scan3A_33 = arith.addi %scan3A_31, %scan3A_32 : i32
    %scan3A_34 = arith.constant 1 : i32
    scf.for %scan3A_116 = %scan3A_31 to %scan3A_33 step %scan3A_34  : i32 {
      %mul3A_117 = arith.constant 8 : i32
      %mul3A_118 = arith.muli %scan3A_116, %mul3A_117 : i32
      %add3A_119 = vector.broadcast %mul3A_118 : i32 to vector<16xi32>
      %add3A_120 = arith.addi %add3A_9, %add3A_119 : vector<16xi32>
      %gather3A = tpu.vector_load_idx %arg10[%add3A_120, %and3A_6] : memref<2000x8xf32, #tpu.memory_space<vmem>>[vector<16xi32>, vector<16xi32>], vector<16xf32>,
      %gather3A_121 = tpu.vector_load_idx %arg11[%add3A_120, %and3A_6] : memref<2000x8xf32, #tpu.memory_space<vmem>>[vector<16xi32>, vector<16xi32>], vector<16xf32>,
      %add3A_122 = arith.addf %gather3A, %gather3A_121 : vector<16xf32>
      tpu.vector_store_idx %arg12[%and3A_6, %add3A_120], %add3A_122 : memref<8x2000xf32, #tpu.memory_space<vmem>>[vector<16xi32>, vector<16xi32>], vector<16xf32>,
      %add3A_123 = vector.broadcast %mul3A_118 : i32 to vector<16xi32>
      %add3A_124 = arith.addi %add3A_12, %add3A_123 : vector<16xi32>
      %gather3A_125 = tpu.vector_load_idx %arg10[%add3A_124, %and3A_6] : memref<2000x8xf32, #tpu.memory_space<vmem>>[vector<16xi32>, vector<16xi32>], vector<16xf32>,
      %gather3A_126 = tpu.vector_load_idx %arg11[%add3A_124, %and3A_6] : memref<2000x8xf32, #tpu.memory_space<vmem>>[vector<16xi32>, vector<16xi32>], vector<16xf32>,
      %add3A_127 = arith.addf %gather3A_125, %gather3A_126 : vector<16xf32>
      tpu.vector_store_idx %arg12[%and3A_6, %add3A_124], %add3A_127 : memref<8x2000xf32, #tpu.memory_space<vmem>>[vector<16xi32>, vector<16xi32>], vector<16xf32>,
      %add3A_128 = vector.broadcast %mul3A_118 : i32 to vector<16xi32>
      %add3A_129 = arith.addi %add3A_15, %add3A_128 : vector<16xi32>
      %gather3A_130 = tpu.vector_load_idx %arg10[%add3A_129, %and3A_6] : memref<2000x8xf32, #tpu.memory_space<vmem>>[vector<16xi32>, vector<16xi32>], vector<16xf32>,
      %gather3A_131 = tpu.vector_load_idx %arg11[%add3A_129, %and3A_6] : memref<2000x8xf32, #tpu.memory_space<vmem>>[vector<16xi32>, vector<16xi32>], vector<16xf32>,
      %add3A_132 = arith.addf %gather3A_130, %gather3A_131 : vector<16xf32>
      tpu.vector_store_idx %arg12[%and3A_6, %add3A_129], %add3A_132 : memref<8x2000xf32, #tpu.memory_space<vmem>>[vector<16xi32>, vector<16xi32>], vector<16xf32>,
      %add3A_133 = vector.broadcast %mul3A_118 : i32 to vector<16xi32>
      %add3A_134 = arith.addi %add3A_18, %add3A_133 : vector<16xi32>
      %gather3A_135 = tpu.vector_load_idx %arg10[%add3A_134, %and3A_6] : memref<2000x8xf32, #tpu.memory_space<vmem>>[vector<16xi32>, vector<16xi32>], vector<16xf32>,
      %gather3A_136 = tpu.vector_load_idx %arg11[%add3A_134, %and3A_6] : memref<2000x8xf32, #tpu.memory_space<vmem>>[vector<16xi32>, vector<16xi32>], vector<16xf32>,
      %add3A_137 = arith.addf %gather3A_135, %gather3A_136 : vector<16xf32>
      tpu.vector_store_idx %arg12[%and3A_6, %add3A_134], %add3A_137 : memref<8x2000xf32, #tpu.memory_space<vmem>>[vector<16xi32>, vector<16xi32>], vector<16xf32>,
    }
    %scan3A_35 = arith.constant 250 : i32
    "tpu.region"() ({
      %run_scoped3A = tpu.sem_alloc : memref<!tpu.dma_semaphore, #tpu.memory_space<semaphore_mem>>
      %dma_start3A_116 = arith.constant 0 : i32
      %dma_start3A_117 = arith.constant 0 : i32
      %dma_start3A_118 = tpu.memref_slice %arg12[%dma_start3A_116, %dma_start3A_117] : memref<8x2000xf32, #tpu.memory_space<vmem>> -> memref<4x2000xf32, #tpu.memory_space<vmem>>
      %dma_start3A_119 = arith.constant 0 : i32
      %dma_start3A_120 = tpu.memref_slice %arg6[%dma_start3A_119, %add3A_20] : memref<4x320000xf32, #tpu.memory_space<hbm>> -> memref<4x2000xf32, #tpu.memory_space<hbm>>
      %dma_start3A_121 = arith.constant 0 : i32
      %dma_start3A_122 = tpu.memref_slice %arg6[%dma_start3A_121, %add3A_20] : memref<4x320000xf32, #tpu.memory_space<hbm>> -> memref<4x2000xf32, #tpu.memory_space<hbm>>
      %dma_start3A_123 = arith.constant 0 : i32
      %dma_start3A_124 = arith.constant 0 : i32
      %dma_start3A_125 = tpu.memref_slice %arg12[%dma_start3A_123, %dma_start3A_124] : memref<8x2000xf32, #tpu.memory_space<vmem>> -> memref<4x2000xf32, #tpu.memory_space<vmem>>
      tpu.enqueue_dma source(%dma_start3A_125 : memref<4x2000xf32, #tpu.memory_space<vmem>>) target(%dma_start3A_122 : memref<4x2000xf32, #tpu.memory_space<hbm>>) target_semaphore(%run_scoped3A : memref<!tpu.dma_semaphore, #tpu.memory_space<semaphore_mem>>)
      %dma_wait3A_126 = arith.constant 0 : i32
      %dma_wait3A_127 = arith.constant 0 : i32
      %dma_wait3A_128 = tpu.memref_slice %arg12[%dma_wait3A_126, %dma_wait3A_127] : memref<8x2000xf32, #tpu.memory_space<vmem>> -> memref<4x2000xf32, #tpu.memory_space<vmem>>
      %dma_wait3A_129 = arith.constant 0 : i32
      %dma_wait3A_130 = tpu.memref_slice %arg6[%dma_wait3A_129, %add3A_20] : memref<4x320000xf32, #tpu.memory_space<hbm>> -> memref<4x2000xf32, #tpu.memory_space<hbm>>
      %dma_wait3A_131 = arith.constant 0 : i32
      %dma_wait3A_132 = tpu.memref_slice %arg6[%dma_wait3A_131, %add3A_20] : memref<4x320000xf32, #tpu.memory_space<hbm>> -> memref<4x2000xf32, #tpu.memory_space<hbm>>
      %dma_wait3A_133 = arith.constant 0 : i32
      %dma_wait3A_134 = arith.constant 0 : i32
      %dma_wait3A_135 = tpu.memref_slice %arg12[%dma_wait3A_133, %dma_wait3A_134] : memref<8x2000xf32, #tpu.memory_space<vmem>> -> memref<4x2000xf32, #tpu.memory_space<vmem>>
      tpu.wait_dma2 semaphore(%run_scoped3A : memref<!tpu.dma_semaphore, #tpu.memory_space<semaphore_mem>>) src(%dma_wait3A_135 : memref<4x2000xf32, #tpu.memory_space<vmem>>) dst(%dma_wait3A_132 : memref<4x2000xf32, #tpu.memory_space<hbm>>)
      tpu.yield
    }) : () -> ()
    "tpu.region"() ({
      %run_scoped3A = tpu.sem_alloc : memref<!tpu.dma_semaphore, #tpu.memory_space<semaphore_mem>>
      %dma_start3A_116 = arith.constant 4 : i32
      %dma_start3A_117 = arith.constant 0 : i32
      %dma_start3A_118 = tpu.memref_slice %arg12[%dma_start3A_116, %dma_start3A_117] : memref<8x2000xf32, #tpu.memory_space<vmem>> -> memref<4x2000xf32, #tpu.memory_space<vmem>>
      %dma_start3A_119 = arith.constant 0 : i32
      %dma_start3A_120 = tpu.memref_slice %arg7[%dma_start3A_119, %add3A_20] : memref<4x320000xf32, #tpu.memory_space<hbm>> -> memref<4x2000xf32, #tpu.memory_space<hbm>>
      %dma_start3A_121 = arith.constant 0 : i32
      %dma_start3A_122 = tpu.memref_slice %arg7[%dma_start3A_121, %add3A_20] : memref<4x320000xf32, #tpu.memory_space<hbm>> -> memref<4x2000xf32, #tpu.memory_space<hbm>>
      %dma_start3A_123 = arith.constant 4 : i32
      %dma_start3A_124 = arith.constant 0 : i32
      %dma_start3A_125 = tpu.memref_slice %arg12[%dma_start3A_123, %dma_start3A_124] : memref<8x2000xf32, #tpu.memory_space<vmem>> -> memref<4x2000xf32, #tpu.memory_space<vmem>>
      tpu.enqueue_dma source(%dma_start3A_125 : memref<4x2000xf32, #tpu.memory_space<vmem>>) target(%dma_start3A_122 : memref<4x2000xf32, #tpu.memory_space<hbm>>) target_semaphore(%run_scoped3A : memref<!tpu.dma_semaphore, #tpu.memory_space<semaphore_mem>>)
      %dma_wait3A_126 = arith.constant 4 : i32
      %dma_wait3A_127 = arith.constant 0 : i32
      %dma_wait3A_128 = tpu.memref_slice %arg12[%dma_wait3A_126, %dma_wait3A_127] : memref<8x2000xf32, #tpu.memory_space<vmem>> -> memref<4x2000xf32, #tpu.memory_space<vmem>>
      %dma_wait3A_129 = arith.constant 0 : i32
      %dma_wait3A_130 = tpu.memref_slice %arg7[%dma_wait3A_129, %add3A_20] : memref<4x320000xf32, #tpu.memory_space<hbm>> -> memref<4x2000xf32, #tpu.memory_space<hbm>>
      %dma_wait3A_131 = arith.constant 0 : i32
      %dma_wait3A_132 = tpu.memref_slice %arg7[%dma_wait3A_131, %add3A_20] : memref<4x320000xf32, #tpu.memory_space<hbm>> -> memref<4x2000xf32, #tpu.memory_space<hbm>>
      %dma_wait3A_133 = arith.constant 4 : i32
      %dma_wait3A_134 = arith.constant 0 : i32
      %dma_wait3A_135 = tpu.memref_slice %arg12[%dma_wait3A_133, %dma_wait3A_134] : memref<8x2000xf32, #tpu.memory_space<vmem>> -> memref<4x2000xf32, #tpu.memory_space<vmem>>
      tpu.wait_dma2 semaphore(%run_scoped3A : memref<!tpu.dma_semaphore, #tpu.memory_space<semaphore_mem>>) src(%dma_wait3A_135 : memref<4x2000xf32, #tpu.memory_space<vmem>>) dst(%dma_wait3A_132 : memref<4x2000xf32, #tpu.memory_space<hbm>>)
      tpu.yield
    }) : () -> ()
    %add3A_36 = arith.constant 2000 : i32
    %add3A_37 = arith.addi %mul3A_2, %add3A_36 : i32
    "tpu.region"() ({
      %run_scoped3A = tpu.sem_alloc : memref<!tpu.dma_semaphore, #tpu.memory_space<semaphore_mem>>
      %dma_start3A_116 = tpu.memref_slice %arg4[%add3A_37] : memref<320000xi32, #tpu.memory_space<hbm>> -> memref<2000xi32, #tpu.memory_space<hbm>>
      %dma_start3A_117 = tpu.memref_slice %arg4[%add3A_37] : memref<320000xi32, #tpu.memory_space<hbm>> -> memref<2000xi32, #tpu.memory_space<hbm>>
      tpu.enqueue_dma source(%dma_start3A_117 : memref<2000xi32, #tpu.memory_space<hbm>>) target(%arg8 : memref<2000xi32, #tpu.memory_space<vmem>>) target_semaphore(%run_scoped3A : memref<!tpu.dma_semaphore, #tpu.memory_space<semaphore_mem>>)
      %dma_wait3A_118 = tpu.memref_slice %arg4[%add3A_37] : memref<320000xi32, #tpu.memory_space<hbm>> -> memref<2000xi32, #tpu.memory_space<hbm>>
      %dma_wait3A_119 = tpu.memref_slice %arg4[%add3A_37] : memref<320000xi32, #tpu.memory_space<hbm>> -> memref<2000xi32, #tpu.memory_space<hbm>>
      tpu.wait_dma2 semaphore(%run_scoped3A : memref<!tpu.dma_semaphore, #tpu.memory_space<semaphore_mem>>) src(%dma_wait3A_119 : memref<2000xi32, #tpu.memory_space<hbm>>) dst(%arg8 : memref<2000xi32, #tpu.memory_space<vmem>>)
      tpu.yield
    }) : () -> ()
    "tpu.region"() ({
      %run_scoped3A = tpu.sem_alloc : memref<!tpu.dma_semaphore, #tpu.memory_space<semaphore_mem>>
      %dma_start3A_116 = tpu.memref_slice %arg5[%add3A_37] : memref<320000xi32, #tpu.memory_space<hbm>> -> memref<2000xi32, #tpu.memory_space<hbm>>
      %dma_start3A_117 = tpu.memref_slice %arg5[%add3A_37] : memref<320000xi32, #tpu.memory_space<hbm>> -> memref<2000xi32, #tpu.memory_space<hbm>>
      tpu.enqueue_dma source(%dma_start3A_117 : memref<2000xi32, #tpu.memory_space<hbm>>) target(%arg9 : memref<2000xi32, #tpu.memory_space<vmem>>) target_semaphore(%run_scoped3A : memref<!tpu.dma_semaphore, #tpu.memory_space<semaphore_mem>>)
      %dma_wait3A_118 = tpu.memref_slice %arg5[%add3A_37] : memref<320000xi32, #tpu.memory_space<hbm>> -> memref<2000xi32, #tpu.memory_space<hbm>>
      %dma_wait3A_119 = tpu.memref_slice %arg5[%add3A_37] : memref<320000xi32, #tpu.memory_space<hbm>> -> memref<2000xi32, #tpu.memory_space<hbm>>
      tpu.wait_dma2 semaphore(%run_scoped3A : memref<!tpu.dma_semaphore, #tpu.memory_space<semaphore_mem>>) src(%dma_wait3A_119 : memref<2000xi32, #tpu.memory_space<hbm>>) dst(%arg9 : memref<2000xi32, #tpu.memory_space<vmem>>)
      tpu.yield
    }) : () -> ()
    %dma_start3A_38 = arith.constant 0 : i32
    %dma_start3A_39 = arith.constant 0 : i32
    %dma_start3A_40 = tpu.memref_slice %arg2[%dma_start3A_38, %dma_start3A_39] : memref<10000x8xf32, #tpu.memory_space<hbm>> -> memref<10000x8xf32, #tpu.memory_space<hbm>>
    tpu.enqueue_indirect_dma source(%dma_start3A_40 : memref<10000x8xf32, #tpu.memory_space<hbm>>) target(%arg10 : memref<2000x8xf32, #tpu.memory_space<vmem>>) offsets(%arg8 : memref<2000xi32, #tpu.memory_space<vmem>>) semaphore(%arg13 : memref<!tpu.dma_semaphore, #tpu.memory_space<semaphore_mem>>)
    %dma_start3A_41 = arith.constant 0 : i32
    %dma_start3A_42 = arith.constant 0 : i32
    %dma_start3A_43 = tpu.memref_slice %arg3[%dma_start3A_41, %dma_start3A_42] : memref<10000x8xf32, #tpu.memory_space<hbm>> -> memref<10000x8xf32, #tpu.memory_space<hbm>>
    tpu.enqueue_indirect_dma source(%dma_start3A_43 : memref<10000x8xf32, #tpu.memory_space<hbm>>) target(%arg11 : memref<2000x8xf32, #tpu.memory_space<vmem>>) offsets(%arg9 : memref<2000xi32, #tpu.memory_space<vmem>>) semaphore(%arg13 : memref<!tpu.dma_semaphore, #tpu.memory_space<semaphore_mem>>)
    %dma_wait3A_44 = arith.constant 0 : i32
    %dma_wait3A_45 = arith.constant 0 : i32
    %dma_wait3A_46 = tpu.memref_slice %arg2[%dma_wait3A_44, %dma_wait3A_45] : memref<10000x8xf32, #tpu.memory_space<hbm>> -> memref<10000x8xf32, #tpu.memory_space<hbm>>
    tpu.wait_indirect_dma semaphore(%arg13 : memref<!tpu.dma_semaphore, #tpu.memory_space<semaphore_mem>>) src(%dma_wait3A_46 : memref<10000x8xf32, #tpu.memory_space<hbm>>) dst(%arg10 : memref<2000x8xf32, #tpu.memory_space<vmem>>)
    %dma_wait3A_47 = arith.constant 0 : i32
    %dma_wait3A_48 = arith.constant 0 : i32
    %dma_wait3A_49 = tpu.memref_slice %arg3[%dma_wait3A_47, %dma_wait3A_48] : memref<10000x8xf32, #tpu.memory_space<hbm>> -> memref<10000x8xf32, #tpu.memory_space<hbm>>
    tpu.wait_indirect_dma semaphore(%arg13 : memref<!tpu.dma_semaphore, #tpu.memory_space<semaphore_mem>>) src(%dma_wait3A_49 : memref<10000x8xf32, #tpu.memory_space<hbm>>) dst(%arg11 : memref<2000x8xf32, #tpu.memory_space<vmem>>)
    %scan3A_50 = arith.constant 0 : i32
    %scan3A_51 = arith.constant 0 : i32
    %scan3A_52 = arith.constant 250 : i32
    %scan3A_53 = arith.addi %scan3A_51, %scan3A_52 : i32
    %scan3A_54 = arith.constant 1 : i32
    scf.for %scan3A_116 = %scan3A_51 to %scan3A_53 step %scan3A_54  : i32 {
      %mul3A_117 = arith.constant 8 : i32
      %mul3A_118 = arith.muli %scan3A_116, %mul3A_117 : i32
      %add3A_119 = vector.broadcast %mul3A_118 : i32 to vector<16xi32>
      %add3A_120 = arith.addi %add3A_9, %add3A_119 : vector<16xi32>
      %gather3A = tpu.vector_load_idx %arg10[%add3A_120, %and3A_6] : memref<2000x8xf32, #tpu.memory_space<vmem>>[vector<16xi32>, vector<16xi32>], vector<16xf32>,
      %gather3A_121 = tpu.vector_load_idx %arg11[%add3A_120, %and3A_6] : memref<2000x8xf32, #tpu.memory_space<vmem>>[vector<16xi32>, vector<16xi32>], vector<16xf32>,
      %add3A_122 = arith.addf %gather3A, %gather3A_121 : vector<16xf32>
      tpu.vector_store_idx %arg12[%and3A_6, %add3A_120], %add3A_122 : memref<8x2000xf32, #tpu.memory_space<vmem>>[vector<16xi32>, vector<16xi32>], vector<16xf32>,
      %add3A_123 = vector.broadcast %mul3A_118 : i32 to vector<16xi32>
      %add3A_124 = arith.addi %add3A_12, %add3A_123 : vector<16xi32>
      %gather3A_125 = tpu.vector_load_idx %arg10[%add3A_124, %and3A_6] : memref<2000x8xf32, #tpu.memory_space<vmem>>[vector<16xi32>, vector<16xi32>], vector<16xf32>,
      %gather3A_126 = tpu.vector_load_idx %arg11[%add3A_124, %and3A_6] : memref<2000x8xf32, #tpu.memory_space<vmem>>[vector<16xi32>, vector<16xi32>], vector<16xf32>,
      %add3A_127 = arith.addf %gather3A_125, %gather3A_126 : vector<16xf32>
      tpu.vector_store_idx %arg12[%and3A_6, %add3A_124], %add3A_127 : memref<8x2000xf32, #tpu.memory_space<vmem>>[vector<16xi32>, vector<16xi32>], vector<16xf32>,
      %add3A_128 = vector.broadcast %mul3A_118 : i32 to vector<16xi32>
      %add3A_129 = arith.addi %add3A_15, %add3A_128 : vector<16xi32>
      %gather3A_130 = tpu.vector_load_idx %arg10[%add3A_129, %and3A_6] : memref<2000x8xf32, #tpu.memory_space<vmem>>[vector<16xi32>, vector<16xi32>], vector<16xf32>,
      %gather3A_131 = tpu.vector_load_idx %arg11[%add3A_129, %and3A_6] : memref<2000x8xf32, #tpu.memory_space<vmem>>[vector<16xi32>, vector<16xi32>], vector<16xf32>,
      %add3A_132 = arith.addf %gather3A_130, %gather3A_131 : vector<16xf32>
      tpu.vector_store_idx %arg12[%and3A_6, %add3A_129], %add3A_132 : memref<8x2000xf32, #tpu.memory_space<vmem>>[vector<16xi32>, vector<16xi32>], vector<16xf32>,
      %add3A_133 = vector.broadcast %mul3A_118 : i32 to vector<16xi32>
      %add3A_134 = arith.addi %add3A_18, %add3A_133 : vector<16xi32>
      %gather3A_135 = tpu.vector_load_idx %arg10[%add3A_134, %and3A_6] : memref<2000x8xf32, #tpu.memory_space<vmem>>[vector<16xi32>, vector<16xi32>], vector<16xf32>,
      %gather3A_136 = tpu.vector_load_idx %arg11[%add3A_134, %and3A_6] : memref<2000x8xf32, #tpu.memory_space<vmem>>[vector<16xi32>, vector<16xi32>], vector<16xf32>,
      %add3A_137 = arith.addf %gather3A_135, %gather3A_136 : vector<16xf32>
      tpu.vector_store_idx %arg12[%and3A_6, %add3A_134], %add3A_137 : memref<8x2000xf32, #tpu.memory_space<vmem>>[vector<16xi32>, vector<16xi32>], vector<16xf32>,
    }
    %scan3A_55 = arith.constant 250 : i32
    "tpu.region"() ({
      %run_scoped3A = tpu.sem_alloc : memref<!tpu.dma_semaphore, #tpu.memory_space<semaphore_mem>>
      %dma_start3A_116 = arith.constant 0 : i32
      %dma_start3A_117 = arith.constant 0 : i32
      %dma_start3A_118 = tpu.memref_slice %arg12[%dma_start3A_116, %dma_start3A_117] : memref<8x2000xf32, #tpu.memory_space<vmem>> -> memref<4x2000xf32, #tpu.memory_space<vmem>>
      %dma_start3A_119 = arith.constant 0 : i32
      %dma_start3A_120 = tpu.memref_slice %arg6[%dma_start3A_119, %add3A_37] : memref<4x320000xf32, #tpu.memory_space<hbm>> -> memref<4x2000xf32, #tpu.memory_space<hbm>>
      %dma_start3A_121 = arith.constant 0 : i32
      %dma_start3A_122 = tpu.memref_slice %arg6[%dma_start3A_121, %add3A_37] : memref<4x320000xf32, #tpu.memory_space<hbm>> -> memref<4x2000xf32, #tpu.memory_space<hbm>>
      %dma_start3A_123 = arith.constant 0 : i32
      %dma_start3A_124 = arith.constant 0 : i32
      %dma_start3A_125 = tpu.memref_slice %arg12[%dma_start3A_123, %dma_start3A_124] : memref<8x2000xf32, #tpu.memory_space<vmem>> -> memref<4x2000xf32, #tpu.memory_space<vmem>>
      tpu.enqueue_dma source(%dma_start3A_125 : memref<4x2000xf32, #tpu.memory_space<vmem>>) target(%dma_start3A_122 : memref<4x2000xf32, #tpu.memory_space<hbm>>) target_semaphore(%run_scoped3A : memref<!tpu.dma_semaphore, #tpu.memory_space<semaphore_mem>>)
      %dma_wait3A_126 = arith.constant 0 : i32
      %dma_wait3A_127 = arith.constant 0 : i32
      %dma_wait3A_128 = tpu.memref_slice %arg12[%dma_wait3A_126, %dma_wait3A_127] : memref<8x2000xf32, #tpu.memory_space<vmem>> -> memref<4x2000xf32, #tpu.memory_space<vmem>>
      %dma_wait3A_129 = arith.constant 0 : i32
      %dma_wait3A_130 = tpu.memref_slice %arg6[%dma_wait3A_129, %add3A_37] : memref<4x320000xf32, #tpu.memory_space<hbm>> -> memref<4x2000xf32, #tpu.memory_space<hbm>>
      %dma_wait3A_131 = arith.constant 0 : i32
      %dma_wait3A_132 = tpu.memref_slice %arg6[%dma_wait3A_131, %add3A_37] : memref<4x320000xf32, #tpu.memory_space<hbm>> -> memref<4x2000xf32, #tpu.memory_space<hbm>>
      %dma_wait3A_133 = arith.constant 0 : i32
      %dma_wait3A_134 = arith.constant 0 : i32
      %dma_wait3A_135 = tpu.memref_slice %arg12[%dma_wait3A_133, %dma_wait3A_134] : memref<8x2000xf32, #tpu.memory_space<vmem>> -> memref<4x2000xf32, #tpu.memory_space<vmem>>
      tpu.wait_dma2 semaphore(%run_scoped3A : memref<!tpu.dma_semaphore, #tpu.memory_space<semaphore_mem>>) src(%dma_wait3A_135 : memref<4x2000xf32, #tpu.memory_space<vmem>>) dst(%dma_wait3A_132 : memref<4x2000xf32, #tpu.memory_space<hbm>>)
      tpu.yield
    }) : () -> ()
    "tpu.region"() ({
      %run_scoped3A = tpu.sem_alloc : memref<!tpu.dma_semaphore, #tpu.memory_space<semaphore_mem>>
      %dma_start3A_116 = arith.constant 4 : i32
      %dma_start3A_117 = arith.constant 0 : i32
      %dma_start3A_118 = tpu.memref_slice %arg12[%dma_start3A_116, %dma_start3A_117] : memref<8x2000xf32, #tpu.memory_space<vmem>> -> memref<4x2000xf32, #tpu.memory_space<vmem>>
      %dma_start3A_119 = arith.constant 0 : i32
      %dma_start3A_120 = tpu.memref_slice %arg7[%dma_start3A_119, %add3A_37] : memref<4x320000xf32, #tpu.memory_space<hbm>> -> memref<4x2000xf32, #tpu.memory_space<hbm>>
      %dma_start3A_121 = arith.constant 0 : i32
      %dma_start3A_122 = tpu.memref_slice %arg7[%dma_start3A_121, %add3A_37] : memref<4x320000xf32, #tpu.memory_space<hbm>> -> memref<4x2000xf32, #tpu.memory_space<hbm>>
      %dma_start3A_123 = arith.constant 4 : i32
      %dma_start3A_124 = arith.constant 0 : i32
      %dma_start3A_125 = tpu.memref_slice %arg12[%dma_start3A_123, %dma_start3A_124] : memref<8x2000xf32, #tpu.memory_space<vmem>> -> memref<4x2000xf32, #tpu.memory_space<vmem>>
      tpu.enqueue_dma source(%dma_start3A_125 : memref<4x2000xf32, #tpu.memory_space<vmem>>) target(%dma_start3A_122 : memref<4x2000xf32, #tpu.memory_space<hbm>>) target_semaphore(%run_scoped3A : memref<!tpu.dma_semaphore, #tpu.memory_space<semaphore_mem>>)
      %dma_wait3A_126 = arith.constant 4 : i32
      %dma_wait3A_127 = arith.constant 0 : i32
      %dma_wait3A_128 = tpu.memref_slice %arg12[%dma_wait3A_126, %dma_wait3A_127] : memref<8x2000xf32, #tpu.memory_space<vmem>> -> memref<4x2000xf32, #tpu.memory_space<vmem>>
      %dma_wait3A_129 = arith.constant 0 : i32
      %dma_wait3A_130 = tpu.memref_slice %arg7[%dma_wait3A_129, %add3A_37] : memref<4x320000xf32, #tpu.memory_space<hbm>> -> memref<4x2000xf32, #tpu.memory_space<hbm>>
      %dma_wait3A_131 = arith.constant 0 : i32
      %dma_wait3A_132 = tpu.memref_slice %arg7[%dma_wait3A_131, %add3A_37] : memref<4x320000xf32, #tpu.memory_space<hbm>> -> memref<4x2000xf32, #tpu.memory_space<hbm>>
      %dma_wait3A_133 = arith.constant 4 : i32
      %dma_wait3A_134 = arith.constant 0 : i32
      %dma_wait3A_135 = tpu.memref_slice %arg12[%dma_wait3A_133, %dma_wait3A_134] : memref<8x2000xf32, #tpu.memory_space<vmem>> -> memref<4x2000xf32, #tpu.memory_space<vmem>>
      tpu.wait_dma2 semaphore(%run_scoped3A : memref<!tpu.dma_semaphore, #tpu.memory_space<semaphore_mem>>) src(%dma_wait3A_135 : memref<4x2000xf32, #tpu.memory_space<vmem>>) dst(%dma_wait3A_132 : memref<4x2000xf32, #tpu.memory_space<hbm>>)
      tpu.yield
    }) : () -> ()
    %add3A_56 = arith.constant 4000 : i32
    %add3A_57 = arith.addi %mul3A_2, %add3A_56 : i32
    "tpu.region"() ({
      %run_scoped3A = tpu.sem_alloc : memref<!tpu.dma_semaphore, #tpu.memory_space<semaphore_mem>>
      %dma_start3A_116 = tpu.memref_slice %arg4[%add3A_57] : memref<320000xi32, #tpu.memory_space<hbm>> -> memref<2000xi32, #tpu.memory_space<hbm>>
      %dma_start3A_117 = tpu.memref_slice %arg4[%add3A_57] : memref<320000xi32, #tpu.memory_space<hbm>> -> memref<2000xi32, #tpu.memory_space<hbm>>
      tpu.enqueue_dma source(%dma_start3A_117 : memref<2000xi32, #tpu.memory_space<hbm>>) target(%arg8 : memref<2000xi32, #tpu.memory_space<vmem>>) target_semaphore(%run_scoped3A : memref<!tpu.dma_semaphore, #tpu.memory_space<semaphore_mem>>)
      %dma_wait3A_118 = tpu.memref_slice %arg4[%add3A_57] : memref<320000xi32, #tpu.memory_space<hbm>> -> memref<2000xi32, #tpu.memory_space<hbm>>
      %dma_wait3A_119 = tpu.memref_slice %arg4[%add3A_57] : memref<320000xi32, #tpu.memory_space<hbm>> -> memref<2000xi32, #tpu.memory_space<hbm>>
      tpu.wait_dma2 semaphore(%run_scoped3A : memref<!tpu.dma_semaphore, #tpu.memory_space<semaphore_mem>>) src(%dma_wait3A_119 : memref<2000xi32, #tpu.memory_space<hbm>>) dst(%arg8 : memref<2000xi32, #tpu.memory_space<vmem>>)
      tpu.yield
    }) : () -> ()
    "tpu.region"() ({
      %run_scoped3A = tpu.sem_alloc : memref<!tpu.dma_semaphore, #tpu.memory_space<semaphore_mem>>
      %dma_start3A_116 = tpu.memref_slice %arg5[%add3A_57] : memref<320000xi32, #tpu.memory_space<hbm>> -> memref<2000xi32, #tpu.memory_space<hbm>>
      %dma_start3A_117 = tpu.memref_slice %arg5[%add3A_57] : memref<320000xi32, #tpu.memory_space<hbm>> -> memref<2000xi32, #tpu.memory_space<hbm>>
      tpu.enqueue_dma source(%dma_start3A_117 : memref<2000xi32, #tpu.memory_space<hbm>>) target(%arg9 : memref<2000xi32, #tpu.memory_space<vmem>>) target_semaphore(%run_scoped3A : memref<!tpu.dma_semaphore, #tpu.memory_space<semaphore_mem>>)
      %dma_wait3A_118 = tpu.memref_slice %arg5[%add3A_57] : memref<320000xi32, #tpu.memory_space<hbm>> -> memref<2000xi32, #tpu.memory_space<hbm>>
      %dma_wait3A_119 = tpu.memref_slice %arg5[%add3A_57] : memref<320000xi32, #tpu.memory_space<hbm>> -> memref<2000xi32, #tpu.memory_space<hbm>>
      tpu.wait_dma2 semaphore(%run_scoped3A : memref<!tpu.dma_semaphore, #tpu.memory_space<semaphore_mem>>) src(%dma_wait3A_119 : memref<2000xi32, #tpu.memory_space<hbm>>) dst(%arg9 : memref<2000xi32, #tpu.memory_space<vmem>>)
      tpu.yield
    }) : () -> ()
    %dma_start3A_58 = arith.constant 0 : i32
    %dma_start3A_59 = arith.constant 0 : i32
    %dma_start3A_60 = tpu.memref_slice %arg2[%dma_start3A_58, %dma_start3A_59] : memref<10000x8xf32, #tpu.memory_space<hbm>> -> memref<10000x8xf32, #tpu.memory_space<hbm>>
    tpu.enqueue_indirect_dma source(%dma_start3A_60 : memref<10000x8xf32, #tpu.memory_space<hbm>>) target(%arg10 : memref<2000x8xf32, #tpu.memory_space<vmem>>) offsets(%arg8 : memref<2000xi32, #tpu.memory_space<vmem>>) semaphore(%arg13 : memref<!tpu.dma_semaphore, #tpu.memory_space<semaphore_mem>>)
    %dma_start3A_61 = arith.constant 0 : i32
    %dma_start3A_62 = arith.constant 0 : i32
    %dma_start3A_63 = tpu.memref_slice %arg3[%dma_start3A_61, %dma_start3A_62] : memref<10000x8xf32, #tpu.memory_space<hbm>> -> memref<10000x8xf32, #tpu.memory_space<hbm>>
    tpu.enqueue_indirect_dma source(%dma_start3A_63 : memref<10000x8xf32, #tpu.memory_space<hbm>>) target(%arg11 : memref<2000x8xf32, #tpu.memory_space<vmem>>) offsets(%arg9 : memref<2000xi32, #tpu.memory_space<vmem>>) semaphore(%arg13 : memref<!tpu.dma_semaphore, #tpu.memory_space<semaphore_mem>>)
    %dma_wait3A_64 = arith.constant 0 : i32
    %dma_wait3A_65 = arith.constant 0 : i32
    %dma_wait3A_66 = tpu.memref_slice %arg2[%dma_wait3A_64, %dma_wait3A_65] : memref<10000x8xf32, #tpu.memory_space<hbm>> -> memref<10000x8xf32, #tpu.memory_space<hbm>>
    tpu.wait_indirect_dma semaphore(%arg13 : memref<!tpu.dma_semaphore, #tpu.memory_space<semaphore_mem>>) src(%dma_wait3A_66 : memref<10000x8xf32, #tpu.memory_space<hbm>>) dst(%arg10 : memref<2000x8xf32, #tpu.memory_space<vmem>>)
    %dma_wait3A_67 = arith.constant 0 : i32
    %dma_wait3A_68 = arith.constant 0 : i32
    %dma_wait3A_69 = tpu.memref_slice %arg3[%dma_wait3A_67, %dma_wait3A_68] : memref<10000x8xf32, #tpu.memory_space<hbm>> -> memref<10000x8xf32, #tpu.memory_space<hbm>>
    tpu.wait_indirect_dma semaphore(%arg13 : memref<!tpu.dma_semaphore, #tpu.memory_space<semaphore_mem>>) src(%dma_wait3A_69 : memref<10000x8xf32, #tpu.memory_space<hbm>>) dst(%arg11 : memref<2000x8xf32, #tpu.memory_space<vmem>>)
    %scan3A_70 = arith.constant 0 : i32
    %scan3A_71 = arith.constant 0 : i32
    %scan3A_72 = arith.constant 250 : i32
    %scan3A_73 = arith.addi %scan3A_71, %scan3A_72 : i32
    %scan3A_74 = arith.constant 1 : i32
    scf.for %scan3A_116 = %scan3A_71 to %scan3A_73 step %scan3A_74  : i32 {
      %mul3A_117 = arith.constant 8 : i32
      %mul3A_118 = arith.muli %scan3A_116, %mul3A_117 : i32
      %add3A_119 = vector.broadcast %mul3A_118 : i32 to vector<16xi32>
      %add3A_120 = arith.addi %add3A_9, %add3A_119 : vector<16xi32>
      %gather3A = tpu.vector_load_idx %arg10[%add3A_120, %and3A_6] : memref<2000x8xf32, #tpu.memory_space<vmem>>[vector<16xi32>, vector<16xi32>], vector<16xf32>,
      %gather3A_121 = tpu.vector_load_idx %arg11[%add3A_120, %and3A_6] : memref<2000x8xf32, #tpu.memory_space<vmem>>[vector<16xi32>, vector<16xi32>], vector<16xf32>,
      %add3A_122 = arith.addf %gather3A, %gather3A_121 : vector<16xf32>
      tpu.vector_store_idx %arg12[%and3A_6, %add3A_120], %add3A_122 : memref<8x2000xf32, #tpu.memory_space<vmem>>[vector<16xi32>, vector<16xi32>], vector<16xf32>,
      %add3A_123 = vector.broadcast %mul3A_118 : i32 to vector<16xi32>
      %add3A_124 = arith.addi %add3A_12, %add3A_123 : vector<16xi32>
      %gather3A_125 = tpu.vector_load_idx %arg10[%add3A_124, %and3A_6] : memref<2000x8xf32, #tpu.memory_space<vmem>>[vector<16xi32>, vector<16xi32>], vector<16xf32>,
      %gather3A_126 = tpu.vector_load_idx %arg11[%add3A_124, %and3A_6] : memref<2000x8xf32, #tpu.memory_space<vmem>>[vector<16xi32>, vector<16xi32>], vector<16xf32>,
      %add3A_127 = arith.addf %gather3A_125, %gather3A_126 : vector<16xf32>
      tpu.vector_store_idx %arg12[%and3A_6, %add3A_124], %add3A_127 : memref<8x2000xf32, #tpu.memory_space<vmem>>[vector<16xi32>, vector<16xi32>], vector<16xf32>,
      %add3A_128 = vector.broadcast %mul3A_118 : i32 to vector<16xi32>
      %add3A_129 = arith.addi %add3A_15, %add3A_128 : vector<16xi32>
      %gather3A_130 = tpu.vector_load_idx %arg10[%add3A_129, %and3A_6] : memref<2000x8xf32, #tpu.memory_space<vmem>>[vector<16xi32>, vector<16xi32>], vector<16xf32>,
      %gather3A_131 = tpu.vector_load_idx %arg11[%add3A_129, %and3A_6] : memref<2000x8xf32, #tpu.memory_space<vmem>>[vector<16xi32>, vector<16xi32>], vector<16xf32>,
      %add3A_132 = arith.addf %gather3A_130, %gather3A_131 : vector<16xf32>
      tpu.vector_store_idx %arg12[%and3A_6, %add3A_129], %add3A_132 : memref<8x2000xf32, #tpu.memory_space<vmem>>[vector<16xi32>, vector<16xi32>], vector<16xf32>,
      %add3A_133 = vector.broadcast %mul3A_118 : i32 to vector<16xi32>
      %add3A_134 = arith.addi %add3A_18, %add3A_133 : vector<16xi32>
      %gather3A_135 = tpu.vector_load_idx %arg10[%add3A_134, %and3A_6] : memref<2000x8xf32, #tpu.memory_space<vmem>>[vector<16xi32>, vector<16xi32>], vector<16xf32>,
      %gather3A_136 = tpu.vector_load_idx %arg11[%add3A_134, %and3A_6] : memref<2000x8xf32, #tpu.memory_space<vmem>>[vector<16xi32>, vector<16xi32>], vector<16xf32>,
      %add3A_137 = arith.addf %gather3A_135, %gather3A_136 : vector<16xf32>
      tpu.vector_store_idx %arg12[%and3A_6, %add3A_134], %add3A_137 : memref<8x2000xf32, #tpu.memory_space<vmem>>[vector<16xi32>, vector<16xi32>], vector<16xf32>,
    }
    %scan3A_75 = arith.constant 250 : i32
    "tpu.region"() ({
      %run_scoped3A = tpu.sem_alloc : memref<!tpu.dma_semaphore, #tpu.memory_space<semaphore_mem>>
      %dma_start3A_116 = arith.constant 0 : i32
      %dma_start3A_117 = arith.constant 0 : i32
      %dma_start3A_118 = tpu.memref_slice %arg12[%dma_start3A_116, %dma_start3A_117] : memref<8x2000xf32, #tpu.memory_space<vmem>> -> memref<4x2000xf32, #tpu.memory_space<vmem>>
      %dma_start3A_119 = arith.constant 0 : i32
      %dma_start3A_120 = tpu.memref_slice %arg6[%dma_start3A_119, %add3A_57] : memref<4x320000xf32, #tpu.memory_space<hbm>> -> memref<4x2000xf32, #tpu.memory_space<hbm>>
      %dma_start3A_121 = arith.constant 0 : i32
      %dma_start3A_122 = tpu.memref_slice %arg6[%dma_start3A_121, %add3A_57] : memref<4x320000xf32, #tpu.memory_space<hbm>> -> memref<4x2000xf32, #tpu.memory_space<hbm>>
      %dma_start3A_123 = arith.constant 0 : i32
      %dma_start3A_124 = arith.constant 0 : i32
      %dma_start3A_125 = tpu.memref_slice %arg12[%dma_start3A_123, %dma_start3A_124] : memref<8x2000xf32, #tpu.memory_space<vmem>> -> memref<4x2000xf32, #tpu.memory_space<vmem>>
      tpu.enqueue_dma source(%dma_start3A_125 : memref<4x2000xf32, #tpu.memory_space<vmem>>) target(%dma_start3A_122 : memref<4x2000xf32, #tpu.memory_space<hbm>>) target_semaphore(%run_scoped3A : memref<!tpu.dma_semaphore, #tpu.memory_space<semaphore_mem>>)
      %dma_wait3A_126 = arith.constant 0 : i32
      %dma_wait3A_127 = arith.constant 0 : i32
      %dma_wait3A_128 = tpu.memref_slice %arg12[%dma_wait3A_126, %dma_wait3A_127] : memref<8x2000xf32, #tpu.memory_space<vmem>> -> memref<4x2000xf32, #tpu.memory_space<vmem>>
      %dma_wait3A_129 = arith.constant 0 : i32
      %dma_wait3A_130 = tpu.memref_slice %arg6[%dma_wait3A_129, %add3A_57] : memref<4x320000xf32, #tpu.memory_space<hbm>> -> memref<4x2000xf32, #tpu.memory_space<hbm>>
      %dma_wait3A_131 = arith.constant 0 : i32
      %dma_wait3A_132 = tpu.memref_slice %arg6[%dma_wait3A_131, %add3A_57] : memref<4x320000xf32, #tpu.memory_space<hbm>> -> memref<4x2000xf32, #tpu.memory_space<hbm>>
      %dma_wait3A_133 = arith.constant 0 : i32
      %dma_wait3A_134 = arith.constant 0 : i32
      %dma_wait3A_135 = tpu.memref_slice %arg12[%dma_wait3A_133, %dma_wait3A_134] : memref<8x2000xf32, #tpu.memory_space<vmem>> -> memref<4x2000xf32, #tpu.memory_space<vmem>>
      tpu.wait_dma2 semaphore(%run_scoped3A : memref<!tpu.dma_semaphore, #tpu.memory_space<semaphore_mem>>) src(%dma_wait3A_135 : memref<4x2000xf32, #tpu.memory_space<vmem>>) dst(%dma_wait3A_132 : memref<4x2000xf32, #tpu.memory_space<hbm>>)
      tpu.yield
    }) : () -> ()
    "tpu.region"() ({
      %run_scoped3A = tpu.sem_alloc : memref<!tpu.dma_semaphore, #tpu.memory_space<semaphore_mem>>
      %dma_start3A_116 = arith.constant 4 : i32
      %dma_start3A_117 = arith.constant 0 : i32
      %dma_start3A_118 = tpu.memref_slice %arg12[%dma_start3A_116, %dma_start3A_117] : memref<8x2000xf32, #tpu.memory_space<vmem>> -> memref<4x2000xf32, #tpu.memory_space<vmem>>
      %dma_start3A_119 = arith.constant 0 : i32
      %dma_start3A_120 = tpu.memref_slice %arg7[%dma_start3A_119, %add3A_57] : memref<4x320000xf32, #tpu.memory_space<hbm>> -> memref<4x2000xf32, #tpu.memory_space<hbm>>
      %dma_start3A_121 = arith.constant 0 : i32
      %dma_start3A_122 = tpu.memref_slice %arg7[%dma_start3A_121, %add3A_57] : memref<4x320000xf32, #tpu.memory_space<hbm>> -> memref<4x2000xf32, #tpu.memory_space<hbm>>
      %dma_start3A_123 = arith.constant 4 : i32
      %dma_start3A_124 = arith.constant 0 : i32
      %dma_start3A_125 = tpu.memref_slice %arg12[%dma_start3A_123, %dma_start3A_124] : memref<8x2000xf32, #tpu.memory_space<vmem>> -> memref<4x2000xf32, #tpu.memory_space<vmem>>
      tpu.enqueue_dma source(%dma_start3A_125 : memref<4x2000xf32, #tpu.memory_space<vmem>>) target(%dma_start3A_122 : memref<4x2000xf32, #tpu.memory_space<hbm>>) target_semaphore(%run_scoped3A : memref<!tpu.dma_semaphore, #tpu.memory_space<semaphore_mem>>)
      %dma_wait3A_126 = arith.constant 4 : i32
      %dma_wait3A_127 = arith.constant 0 : i32
      %dma_wait3A_128 = tpu.memref_slice %arg12[%dma_wait3A_126, %dma_wait3A_127] : memref<8x2000xf32, #tpu.memory_space<vmem>> -> memref<4x2000xf32, #tpu.memory_space<vmem>>
      %dma_wait3A_129 = arith.constant 0 : i32
      %dma_wait3A_130 = tpu.memref_slice %arg7[%dma_wait3A_129, %add3A_57] : memref<4x320000xf32, #tpu.memory_space<hbm>> -> memref<4x2000xf32, #tpu.memory_space<hbm>>
      %dma_wait3A_131 = arith.constant 0 : i32
      %dma_wait3A_132 = tpu.memref_slice %arg7[%dma_wait3A_131, %add3A_57] : memref<4x320000xf32, #tpu.memory_space<hbm>> -> memref<4x2000xf32, #tpu.memory_space<hbm>>
      %dma_wait3A_133 = arith.constant 4 : i32
      %dma_wait3A_134 = arith.constant 0 : i32
      %dma_wait3A_135 = tpu.memref_slice %arg12[%dma_wait3A_133, %dma_wait3A_134] : memref<8x2000xf32, #tpu.memory_space<vmem>> -> memref<4x2000xf32, #tpu.memory_space<vmem>>
      tpu.wait_dma2 semaphore(%run_scoped3A : memref<!tpu.dma_semaphore, #tpu.memory_space<semaphore_mem>>) src(%dma_wait3A_135 : memref<4x2000xf32, #tpu.memory_space<vmem>>) dst(%dma_wait3A_132 : memref<4x2000xf32, #tpu.memory_space<hbm>>)
      tpu.yield
    }) : () -> ()
    %add3A_76 = arith.constant 6000 : i32
    %add3A_77 = arith.addi %mul3A_2, %add3A_76 : i32
    "tpu.region"() ({
      %run_scoped3A = tpu.sem_alloc : memref<!tpu.dma_semaphore, #tpu.memory_space<semaphore_mem>>
      %dma_start3A_116 = tpu.memref_slice %arg4[%add3A_77] : memref<320000xi32, #tpu.memory_space<hbm>> -> memref<2000xi32, #tpu.memory_space<hbm>>
      %dma_start3A_117 = tpu.memref_slice %arg4[%add3A_77] : memref<320000xi32, #tpu.memory_space<hbm>> -> memref<2000xi32, #tpu.memory_space<hbm>>
      tpu.enqueue_dma source(%dma_start3A_117 : memref<2000xi32, #tpu.memory_space<hbm>>) target(%arg8 : memref<2000xi32, #tpu.memory_space<vmem>>) target_semaphore(%run_scoped3A : memref<!tpu.dma_semaphore, #tpu.memory_space<semaphore_mem>>)
      %dma_wait3A_118 = tpu.memref_slice %arg4[%add3A_77] : memref<320000xi32, #tpu.memory_space<hbm>> -> memref<2000xi32, #tpu.memory_space<hbm>>
      %dma_wait3A_119 = tpu.memref_slice %arg4[%add3A_77] : memref<320000xi32, #tpu.memory_space<hbm>> -> memref<2000xi32, #tpu.memory_space<hbm>>
      tpu.wait_dma2 semaphore(%run_scoped3A : memref<!tpu.dma_semaphore, #tpu.memory_space<semaphore_mem>>) src(%dma_wait3A_119 : memref<2000xi32, #tpu.memory_space<hbm>>) dst(%arg8 : memref<2000xi32, #tpu.memory_space<vmem>>)
      tpu.yield
    }) : () -> ()
    "tpu.region"() ({
      %run_scoped3A = tpu.sem_alloc : memref<!tpu.dma_semaphore, #tpu.memory_space<semaphore_mem>>
      %dma_start3A_116 = tpu.memref_slice %arg5[%add3A_77] : memref<320000xi32, #tpu.memory_space<hbm>> -> memref<2000xi32, #tpu.memory_space<hbm>>
      %dma_start3A_117 = tpu.memref_slice %arg5[%add3A_77] : memref<320000xi32, #tpu.memory_space<hbm>> -> memref<2000xi32, #tpu.memory_space<hbm>>
      tpu.enqueue_dma source(%dma_start3A_117 : memref<2000xi32, #tpu.memory_space<hbm>>) target(%arg9 : memref<2000xi32, #tpu.memory_space<vmem>>) target_semaphore(%run_scoped3A : memref<!tpu.dma_semaphore, #tpu.memory_space<semaphore_mem>>)
      %dma_wait3A_118 = tpu.memref_slice %arg5[%add3A_77] : memref<320000xi32, #tpu.memory_space<hbm>> -> memref<2000xi32, #tpu.memory_space<hbm>>
      %dma_wait3A_119 = tpu.memref_slice %arg5[%add3A_77] : memref<320000xi32, #tpu.memory_space<hbm>> -> memref<2000xi32, #tpu.memory_space<hbm>>
      tpu.wait_dma2 semaphore(%run_scoped3A : memref<!tpu.dma_semaphore, #tpu.memory_space<semaphore_mem>>) src(%dma_wait3A_119 : memref<2000xi32, #tpu.memory_space<hbm>>) dst(%arg9 : memref<2000xi32, #tpu.memory_space<vmem>>)
      tpu.yield
    }) : () -> ()
    %dma_start3A_78 = arith.constant 0 : i32
    %dma_start3A_79 = arith.constant 0 : i32
    %dma_start3A_80 = tpu.memref_slice %arg2[%dma_start3A_78, %dma_start3A_79] : memref<10000x8xf32, #tpu.memory_space<hbm>> -> memref<10000x8xf32, #tpu.memory_space<hbm>>
    tpu.enqueue_indirect_dma source(%dma_start3A_80 : memref<10000x8xf32, #tpu.memory_space<hbm>>) target(%arg10 : memref<2000x8xf32, #tpu.memory_space<vmem>>) offsets(%arg8 : memref<2000xi32, #tpu.memory_space<vmem>>) semaphore(%arg13 : memref<!tpu.dma_semaphore, #tpu.memory_space<semaphore_mem>>)
    %dma_start3A_81 = arith.constant 0 : i32
    %dma_start3A_82 = arith.constant 0 : i32
    %dma_start3A_83 = tpu.memref_slice %arg3[%dma_start3A_81, %dma_start3A_82] : memref<10000x8xf32, #tpu.memory_space<hbm>> -> memref<10000x8xf32, #tpu.memory_space<hbm>>
    tpu.enqueue_indirect_dma source(%dma_start3A_83 : memref<10000x8xf32, #tpu.memory_space<hbm>>) target(%arg11 : memref<2000x8xf32, #tpu.memory_space<vmem>>) offsets(%arg9 : memref<2000xi32, #tpu.memory_space<vmem>>) semaphore(%arg13 : memref<!tpu.dma_semaphore, #tpu.memory_space<semaphore_mem>>)
    %dma_wait3A_84 = arith.constant 0 : i32
    %dma_wait3A_85 = arith.constant 0 : i32
    %dma_wait3A_86 = tpu.memref_slice %arg2[%dma_wait3A_84, %dma_wait3A_85] : memref<10000x8xf32, #tpu.memory_space<hbm>> -> memref<10000x8xf32, #tpu.memory_space<hbm>>
    tpu.wait_indirect_dma semaphore(%arg13 : memref<!tpu.dma_semaphore, #tpu.memory_space<semaphore_mem>>) src(%dma_wait3A_86 : memref<10000x8xf32, #tpu.memory_space<hbm>>) dst(%arg10 : memref<2000x8xf32, #tpu.memory_space<vmem>>)
    %dma_wait3A_87 = arith.constant 0 : i32
    %dma_wait3A_88 = arith.constant 0 : i32
    %dma_wait3A_89 = tpu.memref_slice %arg3[%dma_wait3A_87, %dma_wait3A_88] : memref<10000x8xf32, #tpu.memory_space<hbm>> -> memref<10000x8xf32, #tpu.memory_space<hbm>>
    tpu.wait_indirect_dma semaphore(%arg13 : memref<!tpu.dma_semaphore, #tpu.memory_space<semaphore_mem>>) src(%dma_wait3A_89 : memref<10000x8xf32, #tpu.memory_space<hbm>>) dst(%arg11 : memref<2000x8xf32, #tpu.memory_space<vmem>>)
    %scan3A_90 = arith.constant 0 : i32
    %scan3A_91 = arith.constant 0 : i32
    %scan3A_92 = arith.constant 250 : i32
    %scan3A_93 = arith.addi %scan3A_91, %scan3A_92 : i32
    %scan3A_94 = arith.constant 1 : i32
    scf.for %scan3A_116 = %scan3A_91 to %scan3A_93 step %scan3A_94  : i32 {
      %mul3A_117 = arith.constant 8 : i32
      %mul3A_118 = arith.muli %scan3A_116, %mul3A_117 : i32
      %add3A_119 = vector.broadcast %mul3A_118 : i32 to vector<16xi32>
      %add3A_120 = arith.addi %add3A_9, %add3A_119 : vector<16xi32>
      %gather3A = tpu.vector_load_idx %arg10[%add3A_120, %and3A_6] : memref<2000x8xf32, #tpu.memory_space<vmem>>[vector<16xi32>, vector<16xi32>], vector<16xf32>,
      %gather3A_121 = tpu.vector_load_idx %arg11[%add3A_120, %and3A_6] : memref<2000x8xf32, #tpu.memory_space<vmem>>[vector<16xi32>, vector<16xi32>], vector<16xf32>,
      %add3A_122 = arith.addf %gather3A, %gather3A_121 : vector<16xf32>
      tpu.vector_store_idx %arg12[%and3A_6, %add3A_120], %add3A_122 : memref<8x2000xf32, #tpu.memory_space<vmem>>[vector<16xi32>, vector<16xi32>], vector<16xf32>,
      %add3A_123 = vector.broadcast %mul3A_118 : i32 to vector<16xi32>
      %add3A_124 = arith.addi %add3A_12, %add3A_123 : vector<16xi32>
      %gather3A_125 = tpu.vector_load_idx %arg10[%add3A_124, %and3A_6] : memref<2000x8xf32, #tpu.memory_space<vmem>>[vector<16xi32>, vector<16xi32>], vector<16xf32>,
      %gather3A_126 = tpu.vector_load_idx %arg11[%add3A_124, %and3A_6] : memref<2000x8xf32, #tpu.memory_space<vmem>>[vector<16xi32>, vector<16xi32>], vector<16xf32>,
      %add3A_127 = arith.addf %gather3A_125, %gather3A_126 : vector<16xf32>
      tpu.vector_store_idx %arg12[%and3A_6, %add3A_124], %add3A_127 : memref<8x2000xf32, #tpu.memory_space<vmem>>[vector<16xi32>, vector<16xi32>], vector<16xf32>,
      %add3A_128 = vector.broadcast %mul3A_118 : i32 to vector<16xi32>
      %add3A_129 = arith.addi %add3A_15, %add3A_128 : vector<16xi32>
      %gather3A_130 = tpu.vector_load_idx %arg10[%add3A_129, %and3A_6] : memref<2000x8xf32, #tpu.memory_space<vmem>>[vector<16xi32>, vector<16xi32>], vector<16xf32>,
      %gather3A_131 = tpu.vector_load_idx %arg11[%add3A_129, %and3A_6] : memref<2000x8xf32, #tpu.memory_space<vmem>>[vector<16xi32>, vector<16xi32>], vector<16xf32>,
      %add3A_132 = arith.addf %gather3A_130, %gather3A_131 : vector<16xf32>
      tpu.vector_store_idx %arg12[%and3A_6, %add3A_129], %add3A_132 : memref<8x2000xf32, #tpu.memory_space<vmem>>[vector<16xi32>, vector<16xi32>], vector<16xf32>,
      %add3A_133 = vector.broadcast %mul3A_118 : i32 to vector<16xi32>
      %add3A_134 = arith.addi %add3A_18, %add3A_133 : vector<16xi32>
      %gather3A_135 = tpu.vector_load_idx %arg10[%add3A_134, %and3A_6] : memref<2000x8xf32, #tpu.memory_space<vmem>>[vector<16xi32>, vector<16xi32>], vector<16xf32>,
      %gather3A_136 = tpu.vector_load_idx %arg11[%add3A_134, %and3A_6] : memref<2000x8xf32, #tpu.memory_space<vmem>>[vector<16xi32>, vector<16xi32>], vector<16xf32>,
      %add3A_137 = arith.addf %gather3A_135, %gather3A_136 : vector<16xf32>
      tpu.vector_store_idx %arg12[%and3A_6, %add3A_134], %add3A_137 : memref<8x2000xf32, #tpu.memory_space<vmem>>[vector<16xi32>, vector<16xi32>], vector<16xf32>,
    }
    %scan3A_95 = arith.constant 250 : i32
    "tpu.region"() ({
      %run_scoped3A = tpu.sem_alloc : memref<!tpu.dma_semaphore, #tpu.memory_space<semaphore_mem>>
      %dma_start3A_116 = arith.constant 0 : i32
      %dma_start3A_117 = arith.constant 0 : i32
      %dma_start3A_118 = tpu.memref_slice %arg12[%dma_start3A_116, %dma_start3A_117] : memref<8x2000xf32, #tpu.memory_space<vmem>> -> memref<4x2000xf32, #tpu.memory_space<vmem>>
      %dma_start3A_119 = arith.constant 0 : i32
      %dma_start3A_120 = tpu.memref_slice %arg6[%dma_start3A_119, %add3A_77] : memref<4x320000xf32, #tpu.memory_space<hbm>> -> memref<4x2000xf32, #tpu.memory_space<hbm>>
      %dma_start3A_121 = arith.constant 0 : i32
      %dma_start3A_122 = tpu.memref_slice %arg6[%dma_start3A_121, %add3A_77] : memref<4x320000xf32, #tpu.memory_space<hbm>> -> memref<4x2000xf32, #tpu.memory_space<hbm>>
      %dma_start3A_123 = arith.constant 0 : i32
      %dma_start3A_124 = arith.constant 0 : i32
      %dma_start3A_125 = tpu.memref_slice %arg12[%dma_start3A_123, %dma_start3A_124] : memref<8x2000xf32, #tpu.memory_space<vmem>> -> memref<4x2000xf32, #tpu.memory_space<vmem>>
      tpu.enqueue_dma source(%dma_start3A_125 : memref<4x2000xf32, #tpu.memory_space<vmem>>) target(%dma_start3A_122 : memref<4x2000xf32, #tpu.memory_space<hbm>>) target_semaphore(%run_scoped3A : memref<!tpu.dma_semaphore, #tpu.memory_space<semaphore_mem>>)
      %dma_wait3A_126 = arith.constant 0 : i32
      %dma_wait3A_127 = arith.constant 0 : i32
      %dma_wait3A_128 = tpu.memref_slice %arg12[%dma_wait3A_126, %dma_wait3A_127] : memref<8x2000xf32, #tpu.memory_space<vmem>> -> memref<4x2000xf32, #tpu.memory_space<vmem>>
      %dma_wait3A_129 = arith.constant 0 : i32
      %dma_wait3A_130 = tpu.memref_slice %arg6[%dma_wait3A_129, %add3A_77] : memref<4x320000xf32, #tpu.memory_space<hbm>> -> memref<4x2000xf32, #tpu.memory_space<hbm>>
      %dma_wait3A_131 = arith.constant 0 : i32
      %dma_wait3A_132 = tpu.memref_slice %arg6[%dma_wait3A_131, %add3A_77] : memref<4x320000xf32, #tpu.memory_space<hbm>> -> memref<4x2000xf32, #tpu.memory_space<hbm>>
      %dma_wait3A_133 = arith.constant 0 : i32
      %dma_wait3A_134 = arith.constant 0 : i32
      %dma_wait3A_135 = tpu.memref_slice %arg12[%dma_wait3A_133, %dma_wait3A_134] : memref<8x2000xf32, #tpu.memory_space<vmem>> -> memref<4x2000xf32, #tpu.memory_space<vmem>>
      tpu.wait_dma2 semaphore(%run_scoped3A : memref<!tpu.dma_semaphore, #tpu.memory_space<semaphore_mem>>) src(%dma_wait3A_135 : memref<4x2000xf32, #tpu.memory_space<vmem>>) dst(%dma_wait3A_132 : memref<4x2000xf32, #tpu.memory_space<hbm>>)
      tpu.yield
    }) : () -> ()
    "tpu.region"() ({
      %run_scoped3A = tpu.sem_alloc : memref<!tpu.dma_semaphore, #tpu.memory_space<semaphore_mem>>
      %dma_start3A_116 = arith.constant 4 : i32
      %dma_start3A_117 = arith.constant 0 : i32
      %dma_start3A_118 = tpu.memref_slice %arg12[%dma_start3A_116, %dma_start3A_117] : memref<8x2000xf32, #tpu.memory_space<vmem>> -> memref<4x2000xf32, #tpu.memory_space<vmem>>
      %dma_start3A_119 = arith.constant 0 : i32
      %dma_start3A_120 = tpu.memref_slice %arg7[%dma_start3A_119, %add3A_77] : memref<4x320000xf32, #tpu.memory_space<hbm>> -> memref<4x2000xf32, #tpu.memory_space<hbm>>
      %dma_start3A_121 = arith.constant 0 : i32
      %dma_start3A_122 = tpu.memref_slice %arg7[%dma_start3A_121, %add3A_77] : memref<4x320000xf32, #tpu.memory_space<hbm>> -> memref<4x2000xf32, #tpu.memory_space<hbm>>
      %dma_start3A_123 = arith.constant 4 : i32
      %dma_start3A_124 = arith.constant 0 : i32
      %dma_start3A_125 = tpu.memref_slice %arg12[%dma_start3A_123, %dma_start3A_124] : memref<8x2000xf32, #tpu.memory_space<vmem>> -> memref<4x2000xf32, #tpu.memory_space<vmem>>
      tpu.enqueue_dma source(%dma_start3A_125 : memref<4x2000xf32, #tpu.memory_space<vmem>>) target(%dma_start3A_122 : memref<4x2000xf32, #tpu.memory_space<hbm>>) target_semaphore(%run_scoped3A : memref<!tpu.dma_semaphore, #tpu.memory_space<semaphore_mem>>)
      %dma_wait3A_126 = arith.constant 4 : i32
      %dma_wait3A_127 = arith.constant 0 : i32
      %dma_wait3A_128 = tpu.memref_slice %arg12[%dma_wait3A_126, %dma_wait3A_127] : memref<8x2000xf32, #tpu.memory_space<vmem>> -> memref<4x2000xf32, #tpu.memory_space<vmem>>
      %dma_wait3A_129 = arith.constant 0 : i32
      %dma_wait3A_130 = tpu.memref_slice %arg7[%dma_wait3A_129, %add3A_77] : memref<4x320000xf32, #tpu.memory_space<hbm>> -> memref<4x2000xf32, #tpu.memory_space<hbm>>
      %dma_wait3A_131 = arith.constant 0 : i32
      %dma_wait3A_132 = tpu.memref_slice %arg7[%dma_wait3A_131, %add3A_77] : memref<4x320000xf32, #tpu.memory_space<hbm>> -> memref<4x2000xf32, #tpu.memory_space<hbm>>
      %dma_wait3A_133 = arith.constant 4 : i32
      %dma_wait3A_134 = arith.constant 0 : i32
      %dma_wait3A_135 = tpu.memref_slice %arg12[%dma_wait3A_133, %dma_wait3A_134] : memref<8x2000xf32, #tpu.memory_space<vmem>> -> memref<4x2000xf32, #tpu.memory_space<vmem>>
      tpu.wait_dma2 semaphore(%run_scoped3A : memref<!tpu.dma_semaphore, #tpu.memory_space<semaphore_mem>>) src(%dma_wait3A_135 : memref<4x2000xf32, #tpu.memory_space<vmem>>) dst(%dma_wait3A_132 : memref<4x2000xf32, #tpu.memory_space<hbm>>)
      tpu.yield
    }) : () -> ()
    %add3A_96 = arith.constant 8000 : i32
    %add3A_97 = arith.addi %mul3A_2, %add3A_96 : i32
    "tpu.region"() ({
      %run_scoped3A = tpu.sem_alloc : memref<!tpu.dma_semaphore, #tpu.memory_space<semaphore_mem>>
      %dma_start3A_116 = tpu.memref_slice %arg4[%add3A_97] : memref<320000xi32, #tpu.memory_space<hbm>> -> memref<2000xi32, #tpu.memory_space<hbm>>
      %dma_start3A_117 = tpu.memref_slice %arg4[%add3A_97] : memref<320000xi32, #tpu.memory_space<hbm>> -> memref<2000xi32, #tpu.memory_space<hbm>>
      tpu.enqueue_dma source(%dma_start3A_117 : memref<2000xi32, #tpu.memory_space<hbm>>) target(%arg8 : memref<2000xi32, #tpu.memory_space<vmem>>) target_semaphore(%run_scoped3A : memref<!tpu.dma_semaphore, #tpu.memory_space<semaphore_mem>>)
      %dma_wait3A_118 = tpu.memref_slice %arg4[%add3A_97] : memref<320000xi32, #tpu.memory_space<hbm>> -> memref<2000xi32, #tpu.memory_space<hbm>>
      %dma_wait3A_119 = tpu.memref_slice %arg4[%add3A_97] : memref<320000xi32, #tpu.memory_space<hbm>> -> memref<2000xi32, #tpu.memory_space<hbm>>
      tpu.wait_dma2 semaphore(%run_scoped3A : memref<!tpu.dma_semaphore, #tpu.memory_space<semaphore_mem>>) src(%dma_wait3A_119 : memref<2000xi32, #tpu.memory_space<hbm>>) dst(%arg8 : memref<2000xi32, #tpu.memory_space<vmem>>)
      tpu.yield
    }) : () -> ()
    "tpu.region"() ({
      %run_scoped3A = tpu.sem_alloc : memref<!tpu.dma_semaphore, #tpu.memory_space<semaphore_mem>>
      %dma_start3A_116 = tpu.memref_slice %arg5[%add3A_97] : memref<320000xi32, #tpu.memory_space<hbm>> -> memref<2000xi32, #tpu.memory_space<hbm>>
      %dma_start3A_117 = tpu.memref_slice %arg5[%add3A_97] : memref<320000xi32, #tpu.memory_space<hbm>> -> memref<2000xi32, #tpu.memory_space<hbm>>
      tpu.enqueue_dma source(%dma_start3A_117 : memref<2000xi32, #tpu.memory_space<hbm>>) target(%arg9 : memref<2000xi32, #tpu.memory_space<vmem>>) target_semaphore(%run_scoped3A : memref<!tpu.dma_semaphore, #tpu.memory_space<semaphore_mem>>)
      %dma_wait3A_118 = tpu.memref_slice %arg5[%add3A_97] : memref<320000xi32, #tpu.memory_space<hbm>> -> memref<2000xi32, #tpu.memory_space<hbm>>
      %dma_wait3A_119 = tpu.memref_slice %arg5[%add3A_97] : memref<320000xi32, #tpu.memory_space<hbm>> -> memref<2000xi32, #tpu.memory_space<hbm>>
      tpu.wait_dma2 semaphore(%run_scoped3A : memref<!tpu.dma_semaphore, #tpu.memory_space<semaphore_mem>>) src(%dma_wait3A_119 : memref<2000xi32, #tpu.memory_space<hbm>>) dst(%arg9 : memref<2000xi32, #tpu.memory_space<vmem>>)
      tpu.yield
    }) : () -> ()
    %dma_start3A_98 = arith.constant 0 : i32
    %dma_start3A_99 = arith.constant 0 : i32
    %dma_start3A_100 = tpu.memref_slice %arg2[%dma_start3A_98, %dma_start3A_99] : memref<10000x8xf32, #tpu.memory_space<hbm>> -> memref<10000x8xf32, #tpu.memory_space<hbm>>
    tpu.enqueue_indirect_dma source(%dma_start3A_100 : memref<10000x8xf32, #tpu.memory_space<hbm>>) target(%arg10 : memref<2000x8xf32, #tpu.memory_space<vmem>>) offsets(%arg8 : memref<2000xi32, #tpu.memory_space<vmem>>) semaphore(%arg13 : memref<!tpu.dma_semaphore, #tpu.memory_space<semaphore_mem>>)
    %dma_start3A_101 = arith.constant 0 : i32
    %dma_start3A_102 = arith.constant 0 : i32
    %dma_start3A_103 = tpu.memref_slice %arg3[%dma_start3A_101, %dma_start3A_102] : memref<10000x8xf32, #tpu.memory_space<hbm>> -> memref<10000x8xf32, #tpu.memory_space<hbm>>
    tpu.enqueue_indirect_dma source(%dma_start3A_103 : memref<10000x8xf32, #tpu.memory_space<hbm>>) target(%arg11 : memref<2000x8xf32, #tpu.memory_space<vmem>>) offsets(%arg9 : memref<2000xi32, #tpu.memory_space<vmem>>) semaphore(%arg13 : memref<!tpu.dma_semaphore, #tpu.memory_space<semaphore_mem>>)
    %dma_wait3A_104 = arith.constant 0 : i32
    %dma_wait3A_105 = arith.constant 0 : i32
    %dma_wait3A_106 = tpu.memref_slice %arg2[%dma_wait3A_104, %dma_wait3A_105] : memref<10000x8xf32, #tpu.memory_space<hbm>> -> memref<10000x8xf32, #tpu.memory_space<hbm>>
    tpu.wait_indirect_dma semaphore(%arg13 : memref<!tpu.dma_semaphore, #tpu.memory_space<semaphore_mem>>) src(%dma_wait3A_106 : memref<10000x8xf32, #tpu.memory_space<hbm>>) dst(%arg10 : memref<2000x8xf32, #tpu.memory_space<vmem>>)
    %dma_wait3A_107 = arith.constant 0 : i32
    %dma_wait3A_108 = arith.constant 0 : i32
    %dma_wait3A_109 = tpu.memref_slice %arg3[%dma_wait3A_107, %dma_wait3A_108] : memref<10000x8xf32, #tpu.memory_space<hbm>> -> memref<10000x8xf32, #tpu.memory_space<hbm>>
    tpu.wait_indirect_dma semaphore(%arg13 : memref<!tpu.dma_semaphore, #tpu.memory_space<semaphore_mem>>) src(%dma_wait3A_109 : memref<10000x8xf32, #tpu.memory_space<hbm>>) dst(%arg11 : memref<2000x8xf32, #tpu.memory_space<vmem>>)
    %scan3A_110 = arith.constant 0 : i32
    %scan3A_111 = arith.constant 0 : i32
    %scan3A_112 = arith.constant 250 : i32
    %scan3A_113 = arith.addi %scan3A_111, %scan3A_112 : i32
    %scan3A_114 = arith.constant 1 : i32
    scf.for %scan3A_116 = %scan3A_111 to %scan3A_113 step %scan3A_114  : i32 {
      %mul3A_117 = arith.constant 8 : i32
      %mul3A_118 = arith.muli %scan3A_116, %mul3A_117 : i32
      %add3A_119 = vector.broadcast %mul3A_118 : i32 to vector<16xi32>
      %add3A_120 = arith.addi %add3A_9, %add3A_119 : vector<16xi32>
      %gather3A = tpu.vector_load_idx %arg10[%add3A_120, %and3A_6] : memref<2000x8xf32, #tpu.memory_space<vmem>>[vector<16xi32>, vector<16xi32>], vector<16xf32>,
      %gather3A_121 = tpu.vector_load_idx %arg11[%add3A_120, %and3A_6] : memref<2000x8xf32, #tpu.memory_space<vmem>>[vector<16xi32>, vector<16xi32>], vector<16xf32>,
      %add3A_122 = arith.addf %gather3A, %gather3A_121 : vector<16xf32>
      tpu.vector_store_idx %arg12[%and3A_6, %add3A_120], %add3A_122 : memref<8x2000xf32, #tpu.memory_space<vmem>>[vector<16xi32>, vector<16xi32>], vector<16xf32>,
      %add3A_123 = vector.broadcast %mul3A_118 : i32 to vector<16xi32>
      %add3A_124 = arith.addi %add3A_12, %add3A_123 : vector<16xi32>
      %gather3A_125 = tpu.vector_load_idx %arg10[%add3A_124, %and3A_6] : memref<2000x8xf32, #tpu.memory_space<vmem>>[vector<16xi32>, vector<16xi32>], vector<16xf32>,
      %gather3A_126 = tpu.vector_load_idx %arg11[%add3A_124, %and3A_6] : memref<2000x8xf32, #tpu.memory_space<vmem>>[vector<16xi32>, vector<16xi32>], vector<16xf32>,
      %add3A_127 = arith.addf %gather3A_125, %gather3A_126 : vector<16xf32>
      tpu.vector_store_idx %arg12[%and3A_6, %add3A_124], %add3A_127 : memref<8x2000xf32, #tpu.memory_space<vmem>>[vector<16xi32>, vector<16xi32>], vector<16xf32>,
      %add3A_128 = vector.broadcast %mul3A_118 : i32 to vector<16xi32>
      %add3A_129 = arith.addi %add3A_15, %add3A_128 : vector<16xi32>
      %gather3A_130 = tpu.vector_load_idx %arg10[%add3A_129, %and3A_6] : memref<2000x8xf32, #tpu.memory_space<vmem>>[vector<16xi32>, vector<16xi32>], vector<16xf32>,
      %gather3A_131 = tpu.vector_load_idx %arg11[%add3A_129, %and3A_6] : memref<2000x8xf32, #tpu.memory_space<vmem>>[vector<16xi32>, vector<16xi32>], vector<16xf32>,
      %add3A_132 = arith.addf %gather3A_130, %gather3A_131 : vector<16xf32>
      tpu.vector_store_idx %arg12[%and3A_6, %add3A_129], %add3A_132 : memref<8x2000xf32, #tpu.memory_space<vmem>>[vector<16xi32>, vector<16xi32>], vector<16xf32>,
      %add3A_133 = vector.broadcast %mul3A_118 : i32 to vector<16xi32>
      %add3A_134 = arith.addi %add3A_18, %add3A_133 : vector<16xi32>
      %gather3A_135 = tpu.vector_load_idx %arg10[%add3A_134, %and3A_6] : memref<2000x8xf32, #tpu.memory_space<vmem>>[vector<16xi32>, vector<16xi32>], vector<16xf32>,
      %gather3A_136 = tpu.vector_load_idx %arg11[%add3A_134, %and3A_6] : memref<2000x8xf32, #tpu.memory_space<vmem>>[vector<16xi32>, vector<16xi32>], vector<16xf32>,
      %add3A_137 = arith.addf %gather3A_135, %gather3A_136 : vector<16xf32>
      tpu.vector_store_idx %arg12[%and3A_6, %add3A_134], %add3A_137 : memref<8x2000xf32, #tpu.memory_space<vmem>>[vector<16xi32>, vector<16xi32>], vector<16xf32>,
    }
    %scan3A_115 = arith.constant 250 : i32
    "tpu.region"() ({
      %run_scoped3A = tpu.sem_alloc : memref<!tpu.dma_semaphore, #tpu.memory_space<semaphore_mem>>
      %dma_start3A_116 = arith.constant 0 : i32
      %dma_start3A_117 = arith.constant 0 : i32
      %dma_start3A_118 = tpu.memref_slice %arg12[%dma_start3A_116, %dma_start3A_117] : memref<8x2000xf32, #tpu.memory_space<vmem>> -> memref<4x2000xf32, #tpu.memory_space<vmem>>
      %dma_start3A_119 = arith.constant 0 : i32
      %dma_start3A_120 = tpu.memref_slice %arg6[%dma_start3A_119, %add3A_97] : memref<4x320000xf32, #tpu.memory_space<hbm>> -> memref<4x2000xf32, #tpu.memory_space<hbm>>
      %dma_start3A_121 = arith.constant 0 : i32
      %dma_start3A_122 = tpu.memref_slice %arg6[%dma_start3A_121, %add3A_97] : memref<4x320000xf32, #tpu.memory_space<hbm>> -> memref<4x2000xf32, #tpu.memory_space<hbm>>
      %dma_start3A_123 = arith.constant 0 : i32
      %dma_start3A_124 = arith.constant 0 : i32
      %dma_start3A_125 = tpu.memref_slice %arg12[%dma_start3A_123, %dma_start3A_124] : memref<8x2000xf32, #tpu.memory_space<vmem>> -> memref<4x2000xf32, #tpu.memory_space<vmem>>
      tpu.enqueue_dma source(%dma_start3A_125 : memref<4x2000xf32, #tpu.memory_space<vmem>>) target(%dma_start3A_122 : memref<4x2000xf32, #tpu.memory_space<hbm>>) target_semaphore(%run_scoped3A : memref<!tpu.dma_semaphore, #tpu.memory_space<semaphore_mem>>)
      %dma_wait3A_126 = arith.constant 0 : i32
      %dma_wait3A_127 = arith.constant 0 : i32
      %dma_wait3A_128 = tpu.memref_slice %arg12[%dma_wait3A_126, %dma_wait3A_127] : memref<8x2000xf32, #tpu.memory_space<vmem>> -> memref<4x2000xf32, #tpu.memory_space<vmem>>
      %dma_wait3A_129 = arith.constant 0 : i32
      %dma_wait3A_130 = tpu.memref_slice %arg6[%dma_wait3A_129, %add3A_97] : memref<4x320000xf32, #tpu.memory_space<hbm>> -> memref<4x2000xf32, #tpu.memory_space<hbm>>
      %dma_wait3A_131 = arith.constant 0 : i32
      %dma_wait3A_132 = tpu.memref_slice %arg6[%dma_wait3A_131, %add3A_97] : memref<4x320000xf32, #tpu.memory_space<hbm>> -> memref<4x2000xf32, #tpu.memory_space<hbm>>
      %dma_wait3A_133 = arith.constant 0 : i32
      %dma_wait3A_134 = arith.constant 0 : i32
      %dma_wait3A_135 = tpu.memref_slice %arg12[%dma_wait3A_133, %dma_wait3A_134] : memref<8x2000xf32, #tpu.memory_space<vmem>> -> memref<4x2000xf32, #tpu.memory_space<vmem>>
      tpu.wait_dma2 semaphore(%run_scoped3A : memref<!tpu.dma_semaphore, #tpu.memory_space<semaphore_mem>>) src(%dma_wait3A_135 : memref<4x2000xf32, #tpu.memory_space<vmem>>) dst(%dma_wait3A_132 : memref<4x2000xf32, #tpu.memory_space<hbm>>)
      tpu.yield
    }) : () -> ()
    "tpu.region"() ({
      %run_scoped3A = tpu.sem_alloc : memref<!tpu.dma_semaphore, #tpu.memory_space<semaphore_mem>>
      %dma_start3A_116 = arith.constant 4 : i32
      %dma_start3A_117 = arith.constant 0 : i32
      %dma_start3A_118 = tpu.memref_slice %arg12[%dma_start3A_116, %dma_start3A_117] : memref<8x2000xf32, #tpu.memory_space<vmem>> -> memref<4x2000xf32, #tpu.memory_space<vmem>>
      %dma_start3A_119 = arith.constant 0 : i32
      %dma_start3A_120 = tpu.memref_slice %arg7[%dma_start3A_119, %add3A_97] : memref<4x320000xf32, #tpu.memory_space<hbm>> -> memref<4x2000xf32, #tpu.memory_space<hbm>>
      %dma_start3A_121 = arith.constant 0 : i32
      %dma_start3A_122 = tpu.memref_slice %arg7[%dma_start3A_121, %add3A_97] : memref<4x320000xf32, #tpu.memory_space<hbm>> -> memref<4x2000xf32, #tpu.memory_space<hbm>>
      %dma_start3A_123 = arith.constant 4 : i32
      %dma_start3A_124 = arith.constant 0 : i32
      %dma_start3A_125 = tpu.memref_slice %arg12[%dma_start3A_123, %dma_start3A_124] : memref<8x2000xf32, #tpu.memory_space<vmem>> -> memref<4x2000xf32, #tpu.memory_space<vmem>>
      tpu.enqueue_dma source(%dma_start3A_125 : memref<4x2000xf32, #tpu.memory_space<vmem>>) target(%dma_start3A_122 : memref<4x2000xf32, #tpu.memory_space<hbm>>) target_semaphore(%run_scoped3A : memref<!tpu.dma_semaphore, #tpu.memory_space<semaphore_mem>>)
      %dma_wait3A_126 = arith.constant 4 : i32
      %dma_wait3A_127 = arith.constant 0 : i32
      %dma_wait3A_128 = tpu.memref_slice %arg12[%dma_wait3A_126, %dma_wait3A_127] : memref<8x2000xf32, #tpu.memory_space<vmem>> -> memref<4x2000xf32, #tpu.memory_space<vmem>>
      %dma_wait3A_129 = arith.constant 0 : i32
      %dma_wait3A_130 = tpu.memref_slice %arg7[%dma_wait3A_129, %add3A_97] : memref<4x320000xf32, #tpu.memory_space<hbm>> -> memref<4x2000xf32, #tpu.memory_space<hbm>>
      %dma_wait3A_131 = arith.constant 0 : i32
      %dma_wait3A_132 = tpu.memref_slice %arg7[%dma_wait3A_131, %add3A_97] : memref<4x320000xf32, #tpu.memory_space<hbm>> -> memref<4x2000xf32, #tpu.memory_space<hbm>>
      %dma_wait3A_133 = arith.constant 4 : i32
      %dma_wait3A_134 = arith.constant 0 : i32
      %dma_wait3A_135 = tpu.memref_slice %arg12[%dma_wait3A_133, %dma_wait3A_134] : memref<8x2000xf32, #tpu.memory_space<vmem>> -> memref<4x2000xf32, #tpu.memory_space<vmem>>
      tpu.wait_dma2 semaphore(%run_scoped3A : memref<!tpu.dma_semaphore, #tpu.memory_space<semaphore_mem>>) src(%dma_wait3A_135 : memref<4x2000xf32, #tpu.memory_space<vmem>>) dst(%dma_wait3A_132 : memref<4x2000xf32, #tpu.memory_space<hbm>>)
      tpu.yield
    }) : () -> ()
    return
  }
}

module attributes {stable_mosaic.version = 14 : i64} {
  func.func @_project_body(%arg0: memref<10000x128xf32, #tpu.memory_space<vmem>>, %arg1: memref<128x8xf32, #tpu.memory_space<vmem>>, %arg2: memref<128x8xf32, #tpu.memory_space<vmem>>, %arg3: memref<10000x8xf32, #tpu.memory_space<vmem>>, %arg4: memref<10000x8xf32, #tpu.memory_space<vmem>>) attributes {dimension_semantics = [], scalar_prefetch = 0 : i64, scratch_operands = 0 : i64, tpu.core_type = #tpu.core_type<tc>} {
    %get3A = arith.constant 0 : index
    %get3A_0 = arith.constant 0 : index
    %get3A_1 = vector.load %arg0[%get3A, %get3A_0] : memref<10000x128xf32, #tpu.memory_space<vmem>>, vector<10000x128xf32>
    %get3A_2 = arith.constant 0 : index
    %get3A_3 = arith.constant 0 : index
    %get3A_4 = vector.load %arg1[%get3A_2, %get3A_3] : memref<128x8xf32, #tpu.memory_space<vmem>>, vector<128x8xf32>
    %dot_general3A = arith.constant dense<0.000000e+00> : vector<10000x8xf32>
    %dot_general3A_5 = tpu.matmul %get3A_1, %get3A_4, %dot_general3A {dimension_numbers = #tpu.dot_dimension_numbers<[1], [0], [0], [1], [0, 0, 1, 1], [], []>, precision = #tpu.contract_precision<fp32>, transpose_lhs_hint = false} : vector<10000x128xf32>, vector<128x8xf32>, vector<10000x8xf32> -> vector<10000x8xf32>
    %swap3A = arith.constant 0 : index
    %swap3A_6 = arith.constant 0 : index
    %swap3A_7 = vector.load %arg3[%swap3A, %swap3A_6] : memref<10000x8xf32, #tpu.memory_space<vmem>>, vector<10000x8xf32>
    tpu.vector_store %arg3[%swap3A, %swap3A_6], %dot_general3A_5 {strides = array<i32>} : memref<10000x8xf32, #tpu.memory_space<vmem>>, vector<10000x8xf32>,
    %get3A_8 = arith.constant 0 : index
    %get3A_9 = arith.constant 0 : index
    %get3A_10 = vector.load %arg2[%get3A_8, %get3A_9] : memref<128x8xf32, #tpu.memory_space<vmem>>, vector<128x8xf32>
    %dot_general3A_11 = arith.constant dense<0.000000e+00> : vector<10000x8xf32>
    %dot_general3A_12 = tpu.matmul %get3A_1, %get3A_10, %dot_general3A_11 {dimension_numbers = #tpu.dot_dimension_numbers<[1], [0], [0], [1], [0, 0, 1, 1], [], []>, precision = #tpu.contract_precision<fp32>, transpose_lhs_hint = false} : vector<10000x128xf32>, vector<128x8xf32>, vector<10000x8xf32> -> vector<10000x8xf32>
    %swap3A_13 = arith.constant 0 : index
    %swap3A_14 = arith.constant 0 : index
    %swap3A_15 = vector.load %arg4[%swap3A_13, %swap3A_14] : memref<10000x8xf32, #tpu.memory_space<vmem>>, vector<10000x8xf32>
    tpu.vector_store %arg4[%swap3A_13, %swap3A_14], %dot_general3A_12 {strides = array<i32>} : memref<10000x8xf32, #tpu.memory_space<vmem>>, vector<10000x8xf32>,
    return
  }
}

</mosaic_0001>

<sc_bundles>
// kernel: kernel.4.cloned.1.call-start
scs
__scs_entry_jumppad:
0x0: {  	(pc) =	sbr.rel $0x88, $3  }
0x1: {  	(tag) =	ssettag $0x0;
	lr =	simm.s32 $0x1  }
0x2: {  	[smem:$0x3F9D] =	sst lr;
	_ =	strace $0xD0000000  }
0x3: {  	_ = 	snop  }
0x4: {  	_ = 	snop  }
0x5: {  	_ = 	snop  }
0x6: {  	_ = 	snop  }
0x7: {  	_ = 	snop  }
__scs_overlays_trampoline_lowered:
0x8: {  	[smem:$0x3FAC] =	sst s0  }
0x9: {  	[smem:$0x3FAD] =	sst s1  }
0xa: {  	[smem:$0x3FAE] =	sst s2  }
0xb: {  	[smem:$0x3FAF] =	sst s3  }
0xc: {  	[smem:$0x3FB0] =	sst s4  }
0xd: {  	[smem:$0x3FB1] =	sst s5  }
0xe: {  	[smem:$0x3FB2] =	sst s6  }
0xf: {  	[smem:$0x3FB3] =	sst s7  }
0x10: {  	[smem:$0x3FB4] =	sst s8  }
0x11: {  	[smem:$0x3FB5] =	sst s9;
	s0 =	simm.s32 @!p0 $0x0  }
0x12: {  	s1 =	sld [smem:$0x3F9B];
	s0 =	simm.s32 @p0 $0x1  }
0x13: {  	[smem:$0x3FB6] =	sst s0;
	s0 =	simm.s32 @!p1 $0x0  }
0x14: {  	s2 =	sld [smem:$0x3F9A];
	s0 =	simm.s32 @p1 $0x1  }
0x15: {  	[smem:$0x3FB7] =	sst s0;
	s0 =	simm.s32 @!p2 $0x0  }
0x16: {  	s3 =	sld [smem:$0x3FDB];
	s0 =	simm.s32 @p2 $0x1  }
0x17: {  	s4 =	simm.s32 $0x1BF5;
	[smem:$0x3FB9] =	sst s0  }
0x18: {  	s0 =	sld [smem:$0x3F9C];
	_ =	swait.ge [sflag:s4], $0x0  }
0x19: {  	s7 =	sld [smem:$0x3F9D]  }
0x1a: {  	s8 =	sadd.s32 $0xFFFFE003, lr  }
0x1b: {  	s9 =	sadd.s32 $0xFFFFFEF7, lr;
	s5 =	simm.s32 $0xFFFFFFFF;
	p2 =	slt.u32 s8, $0xFFFFF086  }
0x1c: {  	p1 =	slt.u32 s9, $0xF7A;
	s5 =	simm.s32 @!p2 $0x0  }
0x1d: {  	s5 =	simm.s32 @p1 $0x1;
	p0 =	seq.s32 s7, s2  }
0x1e: {  	s7 =	smul.u32 @!p0 $0xF7A, s2;
	p2 =	seq.s32 @!p0 s5, $0x0  }
0x1f: {  	s9 =	smul.u32 $0xF7A, s1;
	s8 =	simm.s32 @!p0 $0x1BF5;
	p2 =	por !p2, p0  }
0x20: {  	[sflag:s8] =	ssyncset.s32 @!p0 $0xFFFFF086;
	s6 =	sadd.s32 @!p0 s3, s7;
	s7 =	simm.s32 @!p0 $0x108  }
0x21: {  	s3 =	sadd.s32 s3, s9;
	s6 =	sadd.s32 @!p0 $0x88, s6;
	s7 =	simm.s32 @p2 $0x1082  }
0x22: {  	[simem:s7], [sflag:s8] =	dma.local @!p0 [hbm:s6], $0xF7A  }
0x23: {  	s9 =	sor.u32 $0xD0000000, s2;
	s6 =	simm.s32 $0x108;
	_ =	swait.ge @!p0 [sflag:s8], $0x0  }
0x24: {  	s3 =	sadd.s32 $0x88, s3;
	s6 =	simm.s32 @!p1 $0x1082;
	[sflag:s4] =	ssyncset.s32 $0xFFFFF086  }
0x25: {  	[simem:s6], [sflag:s4] =	dma.local [hbm:s3], $0xF7A  }
0x26: {  	[smem:$0x3F9D] =	sst s1;
	(tag) =	ssettag s2;
	_ =	strace s9  }
0x27: {  	s1 =	sld [smem:$0x3FAD]  }
0x28: {  	s2 =	sld [smem:$0x3FAE]  }
0x29: {  	s4 =	sld [smem:$0x3FB0]  }
0x2a: {  	p0 =	seq.s32 s5, $0x0;
	s5 =	sld [smem:$0x3FB1]  }
0x2b: {  	s6 =	sld [smem:$0x3FB2]  }
0x2c: {  	s7 =	sld [smem:$0x3FB3]  }
0x2d: {  	s3 =	simm.s32 $0x108;
	s8 =	sld [smem:$0x3FB4]  }
0x2e: {  	s3 =	simm.s32 @!p0 $0x1082;
	s9 =	sld [smem:$0x3FB5]  }
0x2f: {  	lr =	sadd.s32 s0, s3;
	s0 =	sld [smem:$0x3FAC]  }
0x30: {  	s3 =	sld [smem:$0x3FAF]  }
0x31: {  	[smem:$0x3FB8] =	sst s10  }
0x32: {  	s10 =	sld [smem:$0x3FB6];
	_ =	sdelay $0x3  }
0x33: {  	p0 =	seq.s32 s10, $0x1;
	s10 =	sld [smem:$0x3FB8];
	_ =	sdelay $0x3  }
0x34: {  	[smem:$0x3FB8] =	sst s10  }
0x35: {  	s10 =	sld [smem:$0x3FB7];
	_ =	sdelay $0x3  }
0x36: {  	p1 =	seq.s32 s10, $0x1;
	s10 =	sld [smem:$0x3FB8];
	_ =	sdelay $0x3  }
0x37: {  	[smem:$0x3FB8] =	sst s10  }
0x38: {  	s10 =	sld [smem:$0x3FB9]  }
0x39: {  	_ = 	snop;
	(pc) =	sbr.ind lr, $3  }
0x3a: {  	_ = 	snop  }
0x3b: {  	_ = 	snop  }
0x3c: {  	p2 =	seq.s32 s10, $0x1;
	s10 =	sld [smem:$0x3FB8]  }
0x3d: {  	_ =	shalt  }
0x3e: {  	_ =	shalt  }
0x3f: {  	_ =	shalt  }
0x40: {  	_ =	shalt  }
0x41: {  	_ =	shalt  }
0x42: {  	_ =	shalt  }
0x43: {  	_ =	shalt  }
0x44: {  	_ =	shalt  }
0x45: {  	_ =	shalt  }
0x46: {  	_ =	shalt  }
0x47: {  	_ =	shalt  }
0x48: {  	_ =	shalt  }
0x49: {  	_ =	shalt  }
0x4a: {  	_ =	shalt  }
0x4b: {  	_ =	shalt  }
0x4c: {  	_ =	shalt  }
0x4d: {  	_ =	shalt  }
0x4e: {  	_ =	shalt  }
0x4f: {  	_ =	shalt  }
0x50: {  	_ =	shalt  }
0x51: {  	_ =	shalt  }
0x52: {  	_ =	shalt  }
0x53: {  	_ =	shalt  }
0x54: {  	_ =	shalt  }
0x55: {  	_ =	shalt  }
0x56: {  	_ =	shalt  }
0x57: {  	_ =	shalt  }
0x58: {  	_ =	shalt  }
0x59: {  	_ =	shalt  }
0x5a: {  	_ =	shalt  }
0x5b: {  	_ =	shalt  }
0x5c: {  	_ =	shalt  }
0x5d: {  	_ =	shalt  }
0x5e: {  	_ =	shalt  }
0x5f: {  	_ =	shalt  }
0x60: {  	_ =	shalt  }
0x61: {  	_ =	shalt  }
0x62: {  	_ =	shalt  }
0x63: {  	_ =	shalt  }
0x64: {  	_ =	shalt  }
0x65: {  	_ =	shalt  }
0x66: {  	_ =	shalt  }
0x67: {  	_ =	shalt  }
0x68: {  	_ =	shalt  }
0x69: {  	_ =	shalt  }
0x6a: {  	_ =	shalt  }
0x6b: {  	_ =	shalt  }
0x6c: {  	_ =	shalt  }
0x6d: {  	_ =	shalt  }
0x6e: {  	_ =	shalt  }
0x6f: {  	_ =	shalt  }
0x70: {  	_ =	shalt  }
0x71: {  	_ =	shalt  }
0x72: {  	_ =	shalt  }
0x73: {  	_ =	shalt  }
0x74: {  	_ =	shalt  }
0x75: {  	_ =	shalt  }
0x76: {  	_ =	shalt  }
0x77: {  	_ =	shalt  }
0x78: {  	_ =	shalt  }
0x79: {  	_ =	shalt  }
0x7a: {  	_ =	shalt  }
0x7b: {  	_ =	shalt  }
0x7c: {  	_ =	shalt  }
0x7d: {  	_ =	shalt  }
0x7e: {  	_ =	shalt  }
0x7f: {  	_ =	shalt  }
0x80: {  	_ =	shalt  }
0x81: {  	_ =	shalt  }
0x82: {  	_ =	shalt  }
0x83: {  	_ =	shalt  }
0x84: {  	_ =	shalt  }
0x85: {  	_ =	shalt  }
0x86: {  	_ =	shalt  }
0x87: {  	_ =	shalt  }
.Lfunc_end0:
.L_simem_size_0:
called_computation_lowered:
.L_overlay_start_0:
0x88: {  	s2 =	sld [smem:$0x3FD9]  }
0x89: {  	s3 =	sld [smem:$0x3FFE];
	_ =	sdelay $0x1  }
0x8a: {  	s1 =	srdreg.scid  }
0x8b: {  	s0 =	sand.u32 $0x1, s1  }
0x8c: {  	s14 =	sshll.u32 s0, $0xA;
	s2 =	sadd.s32 s3, s2  }
0x8d: {  	s2 =	sadd.s32 s2, s14  }
0x8e: {  	[smem:$0x3FC4] =	sst s2  }
0x8f: {  	_ = 	snop  }
0x90: {  	s2 =	sld [smem:$0x3FD0];
	_ =	sdelay $0x2  }
0x91: {  	s15 =	simm.s32 $0xA;
	s4 =	simm.s32 $0x10  }
0x92: {  	[smem:s4], [sflag:s15] =	dma.local [hbm:s2], $0x1  }
0x93: {  	_ =	swait.eq [sflag:s15], $0x1  }
0x94: {  	[sflag:s15] =	ssyncset.done $0x0  }
0x95: {  	s16 =	sld [smem:$0x10];
	[sflag:s15] =	ssyncadd.s32 $0xFFFFFFFF  }
0x96: {  	s17 =	sld [smem:$0x11];
	(tm) =	ssettm $0x1  }
0x97: {  	s18 =	sld [smem:$0x3FFB];
	_ =	sdelay $0x3  }
0x98: {  	_ =	strace s18  }
0x99: {  	s4 =	sld [smem:$0x3FFC];
	_ =	sdelay $0x3  }
0x9a: {  	_ =	strace s4  }
0x9b: {  	s4 =	sld [smem:$0x3FFD];
	_ =	sdelay $0x3  }
0x9c: {  	_ =	strace s4  }
0x9d: {  	_ =	strace $0x8FFFFFFF  }
0x9e: {  	s19 =	sld [smem:$0x3FDB];
	_ =	sdelay $0x1  }
0x9f: {  	s5 =	simm.s32 $_scs_section_size  }
0xa0: {  	s6 =	simm.s32 $_size__tile_overlayer_lowered;
	s7 =	simm.s32 $_tile_overlayer_lowered  }
0xa1: {  	s22 =	simm.s32 $0x1BFF;
	s21 =	sshll.u32 s7, $0x1;
	s4 =	sadd.s32 s5, s19  }
0xa2: {  	s8 =	simm.s32 $0x0;
	s20 =	sshll.u32 s6, $0x1;
	s6 =	sadd.s32 s21, s4  }
0xa3: {  	[timem:s8], [sflag:s22] =	dma.local [hbm:s6], s20  }
0xa4: {  	_ =	swait.ge [sflag:s22], s20  }
0xa5: {  	s5 =	ssub.s32 $0x0, s20;
	[sflag:s22] =	ssyncset.done $0x0  }
0xa6: {  	[sflag:s22] =	ssyncadd.s32 s5;
	_ =	sdelay $0x1  }
0xa7: {  	s23 =	simm.s32 $0x1B8B  }
0xa8: {  	_ =	swait.ge [sflag:s23], $0x1  }
0xa9: {  	[sflag:s23] =	ssyncset.done $0x0  }
0xaa: {  	s25 =	simm.s32 $0x1B8E;
	s24 =	sld [smem:$0x3FFE];
	[sflag:s23] =	ssyncadd.s32 $0xFFFFFFFF  }
0xab: {  	s26 =	simm.s32 $execute0_lowered;
	[smem:$0x3FD2] =	sst s25  }
0xac: {  	s6 =	sshll.u32 s26, $0x1;
	_ =	strace $0x80000046;
	[dreg:$0x1] =	wrdreg $0xFFFFFFFF  }
0xad: {  	s28 =	simm.s32 $_size_execute0_lowered;
	s4 =	sadd.s32 s4, s6;
	[dreg:$0x0] =	wrdreg $0x0  }
0xae: {  	s6 =	sshll.u32 s28, $0x1;
	[dreg:$0x2] =	wrdreg s4  }
0xaf: {  	[dreg:$0x3] =	wrdreg s6  }
0xb0: {  	[dreg:$0x4] =	wrdreg $0xC0  }
0xb1: {  	_ =	task [dreg:s8], $0x5FFFF  }
0xb2: {  	[dreg:$0x1] =	wrdreg $0xFFFFFFFF  }
0xb3: {  	[dreg:$0x0] =	wrdreg $0x60  }
0xb4: {  	[dreg:$0x2] =	wrdreg s24  }
0xb5: {  	[dreg:$0x3] =	wrdreg s16  }
0xb6: {  	[dreg:$0x4] =	wrdreg s17  }
0xb7: {  	[dreg:$0x5] =	wrdreg $0x9  }
0xb8: {  	_ =	task.clear_ibuf [dreg:s8], $0x6FFFF;
	_ =	strace $0x90000046  }
0xb9: {  	s29 =	simm.s32 $0x9;
	_ =	strace $0x80000048  }
0xba: {  	_ =	swait.ge [sflag:s29], $0x1  }
0xbb: {  	[sflag:s29] =	ssyncadd.s32 $0xFFFFFFFF  }
0xbc: {  	_ =	strace $0x90000048  }
0xbd: {  	_ =	sfence  }
0xbe: {  	s30 =	sld [smem:$0x0];
	_ =	sdelay $0x2  }
0xbf: {  	s31 =	sshll.u32 s1, $0xD;
	s1 =	sshrl.u32 s1, $0x2  }
0xc0: {  	s3 =	sand.u32 $0x4000, s31;
	s1 =	sadd.s32 s1, s30  }
0xc1: {  	s0 =	sor.u32 s3, s0;
	s1 =	sshll.u32 s1, $0x11  }
0xc2: {  	s0 =	sor.u32 s1, s0  }
0xc3: {  	s0 =	sadd.s32 $0x8F2B, s0  }
0xc4: {  	[sflag:s0] =	ssyncadd.remote.s32 $0x1  }
0xc5: {  	_ =	sfence.sel $0xFFFF  }
0xc6: {  	[dreg:$0x0] =	wrdreg $0xFFFFFFFF;
	(pc) =	sbr.abs _section_cstart, $3  }
0xc7: {  	[dreg:$0x1] =	wrdreg $0xFFFFFFFF  }
0xc8: {  	_ =	task.clear_ibuf [dreg:s8], $0x2FFFF;
	_ =	strace $0x9FFFFFFF  }
0xc9: {  	(tm) =	ssettm $0x7FFFFFFF  }
tec
execute0_lowered:
.L_overlay_start_1:
0x0: {  	(tag) =	ssettag $0x1  }
0x1: {  	v0 =	vimm.s32 $0x36B1;
	vm14 =	vcmask $0x300  }
0x2: {  	vm13 =	vcmask $0x704;
	vm12 =	vcmask $0xB08;
	vm11 =	vcmask $0xF0C  }
0x3: {  	vm10 =	vcmask $0x1310;
	vm9 =	vcmask $0x1714;
	vm8 =	vcmask $0x1B18  }
0x4: {  	vm7 =	vcmask $0x1F1C;
	vm6 =	vcmask $0x2320;
	v4 =	vlaneseq.u32  }
0x5: {  	vm5 =	vcmask $0x2724;
	vm4 =	vcmask $0x2B28;
	vm2 =	vcmask $0x2F2C  }
0x6: {  	vm3 =	vcmask $0x3330;
	vm1 =	vcmask $0x3734;
	vm0 =	vcmask $0x3B38  }
0x7: {  	v6 =	vimm.s32 $0x36B3;
	v7 =	vimm.s32 $0x36B5;
	v8 =	vimm.s32 $0x36B7  }
0x8: {  	v0 =	vsel vm14, $0x0, v0;
	v1 =	vshrl.u32 v4, $0x3;
	v4 =	vand.u32 $0x7, v4  }
0x9: {  	s0 =	rddreg [dreg:$0x0];
	v6 =	vsel vm14, $0x2, v6;
	v7 =	vsel vm14, $0x4, v7;
	v8 =	vsel vm14, $0x6, v8  }
0xa: {  	s1 =	rddreg [dreg:$0x1];
	s2 =	srdreg.scid;
	v0 =	vsel vm13, $0x7D0, v0;
	v6 =	vsel vm13, $0x7D2, v6;
	v7 =	vsel vm13, $0x7D4, v7  }
0xb: {  	s5 =	stileid.u32;
	s3 =	rddreg [dreg:$0x2];
	v8 =	vsel vm13, $0x7D6, v8;
	v0 =	vsel vm12, $0xFA0, v0;
	v6 =	vsel vm12, $0xFA2, v6  }
0xc: {  	s28 =	simm.s32 $0x7D0;
	s4 =	sand.u32 $0x1, s2;
	s5 =	sshll.u32 s5, $0x1;
	v7 =	vsel vm12, $0xFA4, v7;
	v8 =	vsel vm12, $0xFA6, v8;
	v0 =	vsel vm11, $0x1770, v0  }
0xd: {  	s29 =	simm.s32 $0xFA0;
	s30 =	simm.s32 $0x4E20;
	s5 =	sor.u32 s4, s5;
	v6 =	vsel vm11, $0x1772, v6;
	v7 =	vsel vm11, $0x1774, v7;
	v8 =	vsel vm11, $0x1776, v8  }
0xe: {  	s31 =	simm.s32 $0x1;
	s2 =	simm.s32 $0x0;
	s5 =	smul.u32 $0x2710, s5;
	v0 =	vsel vm10, $0x1F40, v0;
	v6 =	vsel vm10, $0x1F42, v6;
	v7 =	vsel vm10, $0x1F44, v7  }
0xf: {  	s6 =	sadd.s32 $0xC00, s0;
	s22 =	sadd.s32 $0xFA00, s0;
	s4 =	ssub.s32 $0x2, s4;
	v8 =	vsel vm10, $0x1F46, v8;
	v0 =	vsel vm9, $0x2710, v0;
	v6 =	vsel vm9, $0x2712, v6  }
0x10: {  	[smem:$0x7FF] =	sst s2;
	s7 =	sshrl.u32 s4, $0x1;
	s5 =	sshrl.u32 s5, $0x3;
	v7 =	vsel vm9, $0x2714, v7;
	v8 =	vsel vm9, $0x2716, v8;
	v0 =	vsel vm8, $0x2EE0, v0  }
0x11: {  	_ =	strace $0x80000047;
	s4 =	ssub.s32 s4, s7;
	s21 =	sadd.s32 s6, s5;
	v6 =	vsel vm8, $0x2EE2, v6;
	v7 =	vsel vm8, $0x2EE4, v7;
	v8 =	vsel vm8, $0x2EE6, v8  }
0x12: {  	s23 =	sadd.s32 s1, s5;
	s10 =	sadd.s32 $0xFA, s5;
	[dreg:$0x4] =	wrdreg s21;
	v0 =	vsel vm7, $0x36B0, v0;
	v6 =	vsel vm7, $0x36B2, v6;
	v7 =	vsel vm7, $0x36B4, v7  }
0x13: {  	s24 =	sadd.s32 s3, s5;
	s25 =	sadd.s32 s22, s5;
	[dreg:$0x5] =	wrdreg s23;
	v8 =	vsel vm7, $0x36B6, v8;
	v0 =	vsel vm6, $0x1, v0;
	v6 =	vsel vm6, $0x3, v6  }
0x14: {  	s14 =	sadd.s32 $0x1F4, s5;
	s18 =	sadd.s32 $0x2EE, s5;
	[dreg:$0x6] =	wrdreg s24;
	v7 =	vsel vm6, $0x5, v7;
	v8 =	vsel vm6, $0x7, v8;
	v2 =	vsel vm5, $0x7D1, v0  }
0x15: {  	s5 =	sadd.s32 $0x3E8, s5;
	[dreg:$0x7] =	wrdreg s25;
	s26 =	sadd.s32 s6, s10;
	v0 =	vmul.u32 $0x8, v1;
	v6 =	vsel vm5, $0x7D3, v6;
	v7 =	vsel vm5, $0x7D5, v7  }
0x16: {  	s8 =	sadd.s32 s1, s10;
	s9 =	sadd.s32 s3, s10;
	s10 =	sadd.s32 s22, s10;
	v8 =	vsel vm5, $0x7D7, v8;
	v1 =	vsel vm4, $0xFA1, v2;
	v6 =	vsel vm4, $0xFA3, v6  }
0x17: {  	s11 =	sadd.s32 s6, s14;
	s12 =	sadd.s32 s1, s14;
	s13 =	sadd.s32 s3, s14;
	v7 =	vsel vm4, $0xFA5, v7;
	v8 =	vsel vm4, $0xFA7, v8;
	v2 =	vsel vm2, $0x1771, v1  }
0x18: {  	s14 =	sadd.s32 s22, s14;
	s15 =	sadd.s32 s6, s18;
	s16 =	sadd.s32 s1, s18;
	v1 =	vor.u32 $0x30, v0;
	v6 =	vsel vm2, $0x1773, v6;
	v7 =	vsel vm2, $0x1775, v7  }
0x19: {  	s17 =	sadd.s32 s3, s18;
	s18 =	sadd.s32 s22, s18;
	s19 =	sadd.s32 s6, s5;
	v8 =	vsel vm2, $0x1777, v8;
	v3 =	vsel vm3, $0x1F41, v2;
	v2 =	vor.u32 $0x20, v0  }
0x1a: {  	s20 =	sadd.s32 s1, s5;
	s21 =	sadd.s32 s3, s5;
	s22 =	sadd.s32 s22, s5;
	v6 =	vsel vm3, $0x1F43, v6;
	v7 =	vsel vm3, $0x1F45, v7;
	v8 =	vsel vm3, $0x1F47, v8  }
0x1b: {  	s23 =	sadd.s32 $0xAA00, s0;
	s24 =	sadd.s32 $0xD200, s0;
	s25 =	smax.u32 s4, $0x1;
	v5 =	vsel vm1, $0x2711, v3;
	v3 =	vor.u32 $0x10, v0;
	v6 =	vsel vm1, $0x2713, v6  }
0x1c: {  	s1 =	simm.s32 $0x8CA0;
	s0 =	simm.s32 $0x4E200;
	s3 =	simm.s32 $0xABE0;
	v7 =	vsel vm1, $0x2715, v7;
	v8 =	vsel vm1, $0x2717, v8;
	v5 =	vsel vm0, $0x2EE1, v5  }
0x1d: {  	s4 =	simm.s32 $0x0;
	[dreg:$0x8] =	wrdreg s26;
	s26 =	simm.s32 $0x2;
	v6 =	vsel vm0, $0x2EE3, v6;
	v7 =	vsel vm0, $0x2EE5, v7;
	v8 =	vsel vm0, $0x2EE7, v8  }
.LBB2_1:
0x1e: {  	s5 =	rddreg [dreg:$0x4]  }
0x1f: {  	[tilespmem:s2], [sflag:$0x2] =	stream.linear.gather [hbm4b:s5+s2], $0x7D0, $0x38;
	[tilespmem:$0xCB20] =	vst v63  }
0x20: {  	_ =	swait.ge [sflag:s26], $0x7D0  }
0x21: {  	[sflag:s26] =	ssyncset.done $0x0  }
0x22: {  	s7 =	rddreg [dreg:$0x5];
	[sflag:s26] =	ssyncadd.s32 $0xFFFFF830  }
0x23: {  	[tilespmem:s28], [sflag:$0x2] =	stream.linear.gather [hbm4b:s7+s2], $0x7D0, $0x38;
	[tilespmem:$0xCB20] =	vst v63  }
0x24: {  	_ =	swait.ge [sflag:s26], $0x7D0  }
0x25: {  	[sflag:s26] =	ssyncset.done $0x0  }
0x26: {  	[sflag:s26] =	ssyncadd.s32 $0xFFFFF830  }
0x27: {  	[tilespmem:s29], [sflag:$0x1] =	stream.indirect.gather [hbm4b:s23+s28], $0x8, s2, s28, $0xb8;
	[tilespmem:$0xCB20] =	vst v63  }
0x28: {  	v9 =	vmov s2  }
0x29: {  	v9 =	vshll.u32 v9, $0x3;
	[tilespmem:s30], [sflag:$0x1] =	stream.indirect.gather [hbm4b:s24+s28], $0x8, s28, s28, $0xb8;
	[tilespmem:$0xCB20] =	vst v63  }
0x2a: {  	v10 =	vor.u32 v0, v9;
	_ =	swait.ge [sflag:s31], $0x3E80  }
0x2b: {  	v10 =	vor.u32 v4, v10;
	[sflag:s31] =	ssyncset.done $0x0  }
0x2c: {  	[sflag:s31] =	ssyncadd.s32 $0xFFFFC180  }
0x2d: {  	_ =	swait.ge [sflag:s31], $0x3E80  }
0x2e: {  	[sflag:s31] =	ssyncset.done $0x0  }
0x2f: {  	[sflag:s31] =	ssyncadd.s32 $0xFFFFC180  }
0x30: {  	v11 =	vld.idx.msk [tilespmem:v10+s29+$0x0], $0xffff  }
0x31: {  	v10 =	vld.idx.msk [tilespmem:v10+s30+$0x0], $0xffff;
	_ =	sdelay $0x1  }
0x32: {  	v13 =	vadd.s32 s2, v5;
	v12 =	vor.u32 v3, v9  }
0x33: {  	v12 =	vor.u32 v4, v12;
	_ =	sdelay $0x1  }
0x34: {  	v10 =	vadd.f32 v10, v11;
	_ =	sdelay $0x1  }
0x35: {  	[tilespmem:v13+s1+$0x0] =	vst.idx.msk $0xffff, v10  }
0x36: {  	v10 =	vld.idx.msk [tilespmem:v12+s29+$0x0], $0xffff  }
0x37: {  	v11 =	vld.idx.msk [tilespmem:v12+s30+$0x0], $0xffff;
	_ =	sdelay $0x1  }
0x38: {  	v13 =	vadd.s32 s2, v6;
	v12 =	vor.u32 v2, v9  }
0x39: {  	v12 =	vor.u32 v4, v12;
	_ =	sdelay $0x1  }
0x3a: {  	v10 =	vadd.f32 v11, v10;
	_ =	sdelay $0x1  }
0x3b: {  	[tilespmem:v13+s1+$0x0] =	vst.idx.msk $0xffff, v10  }
0x3c: {  	v10 =	vld.idx.msk [tilespmem:v12+s29+$0x0], $0xffff  }
0x3d: {  	v11 =	vld.idx.msk [tilespmem:v12+s30+$0x0], $0xffff;
	_ =	sdelay $0x1  }
0x3e: {  	v9 =	vor.u32 v1, v9;
	v12 =	vadd.s32 s2, v7  }
0x3f: {  	v9 =	vor.u32 v4, v9;
	_ =	sdelay $0x1  }
0x40: {  	v10 =	vadd.f32 v11, v10;
	_ =	sdelay $0x1  }
0x41: {  	[tilespmem:v12+s1+$0x0] =	vst.idx.msk $0xffff, v10  }
0x42: {  	s5 =	simm.s32 $0x8;
	v13 =	vld.idx.msk [tilespmem:v9+s29+$0x0], $0xffff  }
0x43: {  	v11 =	vmov s5;
	v14 =	vld.idx.msk [tilespmem:v9+s30+$0x0], $0xffff  }
0x44: {  	v11 =	vshll.u32 v11, $0x3;
	v10 =	vadd.s32 s2, v8  }
0x45: {  	s6 =	simm.s32 $0x10;
	v15 =	vor.u32 v0, v11;
	v12 =	vor.u32 v3, v11;
	v9 =	vor.u32 v2, v11  }
.LBB2_2:
0x46: {  	p0 =	sne.s32 s6, $0x7C8;
	v15 =	vor.u32 v4, v15;
	v11 =	vor.u32 v1, v11;
	s7 =	smov.u32 s6;
	s6 =	sadd.s32 $0x8, s6  }
0x47: {  	_ = 	snop  }
0x48: {  	v13 =	vadd.f32 v14, v13;
	_ =	sdelay $0x1  }
0x49: {  	[tilespmem:v10+s1+$0x0] =	vst.idx.msk $0xffff, v13  }
0x4a: {  	v10 =	vld.idx.msk [tilespmem:v15+s29+$0x0], $0xffff  }
0x4b: {  	v13 =	vld.idx.msk [tilespmem:v15+s30+$0x0], $0xffff;
	_ =	sdelay $0x1  }
0x4c: {  	v14 =	vadd.s32 s5, v5;
	_ =	sdelay $0x1  }
0x4d: {  	v12 =	vor.u32 v4, v12;
	_ =	sdelay $0x1  }
0x4e: {  	v10 =	vadd.f32 v13, v10;
	_ =	sdelay $0x1  }
0x4f: {  	[tilespmem:v14+s1+$0x0] =	vst.idx.msk $0xffff, v10  }
0x50: {  	v10 =	vld.idx.msk [tilespmem:v12+s29+$0x0], $0xffff  }
0x51: {  	v12 =	vld.idx.msk [tilespmem:v12+s30+$0x0], $0xffff  }
0x52: {  	v13 =	vadd.s32 s5, v6;
	_ =	sdelay $0x2  }
0x53: {  	v9 =	vor.u32 v4, v9;
	_ =	sdelay $0x1  }
0x54: {  	v10 =	vadd.f32 v12, v10;
	_ =	sdelay $0x1  }
0x55: {  	[tilespmem:v13+s1+$0x0] =	vst.idx.msk $0xffff, v10  }
0x56: {  	v10 =	vld.idx.msk [tilespmem:v9+s29+$0x0], $0xffff  }
0x57: {  	v12 =	vadd.s32 s5, v7;
	v9 =	vld.idx.msk [tilespmem:v9+s30+$0x0], $0xffff;
	_ =	sdelay $0x3  }
0x58: {  	v11 =	vor.u32 v4, v11;
	_ =	sdelay $0x1  }
0x59: {  	v9 =	vadd.f32 v9, v10;
	_ =	sdelay $0x1  }
0x5a: {  	[tilespmem:v12+s1+$0x0] =	vst.idx.msk $0xffff, v9  }
.Ltmp0:
0x5b: {  	v10 =	vadd.s32 s5, v8;
	s5 =	smov.u32 s7;
	v13 =	vld.idx.msk [tilespmem:v11+s29+$0x0], $0xffff;
	(pc) =	sbr.rel @p0 .LBB2_2-.Ltmp0, $4  }
0x5c: {  	v14 =	vld.idx.msk [tilespmem:v11+s30+$0x0], $0xffff  }
0x5d: {  	v9 =	vmov s5  }
0x5e: {  	v11 =	vshll.u32 v9, $0x3  }
0x5f: {  	v15 =	vor.u32 v0, v11;
	v12 =	vor.u32 v3, v11;
	v9 =	vor.u32 v2, v11  }
0x60: {  	v15 =	vor.u32 v4, v15;
	_ =	sdelay $0x1  }
0x61: {  	v13 =	vadd.f32 v14, v13;
	_ =	sdelay $0x1  }
0x62: {  	[tilespmem:v10+s1+$0x0] =	vst.idx.msk $0xffff, v13  }
0x63: {  	v10 =	vld.idx.msk [tilespmem:v15+s29+$0x0], $0xffff  }
0x64: {  	v13 =	vld.idx.msk [tilespmem:v15+s30+$0x0], $0xffff;
	_ =	sdelay $0x1  }
0x65: {  	v14 =	vadd.s32 s5, v5  }
0x66: {  	v12 =	vor.u32 v4, v12;
	_ =	sdelay $0x1  }
0x67: {  	v10 =	vadd.f32 v13, v10;
	_ =	sdelay $0x1  }
0x68: {  	[tilespmem:v14+s1+$0x0] =	vst.idx.msk $0xffff, v10  }
0x69: {  	v10 =	vld.idx.msk [tilespmem:v12+s29+$0x0], $0xffff  }
0x6a: {  	v12 =	vld.idx.msk [tilespmem:v12+s30+$0x0], $0xffff;
	_ =	sdelay $0x1  }
0x6b: {  	v13 =	vadd.s32 s5, v6  }
0x6c: {  	v9 =	vor.u32 v4, v9;
	_ =	sdelay $0x1  }
0x6d: {  	v10 =	vadd.f32 v12, v10;
	_ =	sdelay $0x1  }
0x6e: {  	[tilespmem:v13+s1+$0x0] =	vst.idx.msk $0xffff, v10  }
0x6f: {  	v10 =	vld.idx.msk [tilespmem:v9+s29+$0x0], $0xffff  }
0x70: {  	v9 =	vld.idx.msk [tilespmem:v9+s30+$0x0], $0xffff;
	_ =	sdelay $0x1  }
0x71: {  	v11 =	vor.u32 v1, v11;
	v12 =	vadd.s32 s5, v7  }
0x72: {  	v11 =	vor.u32 v4, v11;
	_ =	sdelay $0x1  }
0x73: {  	v9 =	vadd.f32 v9, v10;
	_ =	sdelay $0x1  }
0x74: {  	[tilespmem:v12+s1+$0x0] =	vst.idx.msk $0xffff, v9  }
0x75: {  	v9 =	vld.idx.msk [tilespmem:v11+s29+$0x0], $0xffff  }
0x76: {  	v10 =	vld.idx.msk [tilespmem:v11+s30+$0x0], $0xffff;
	_ =	sdelay $0x1  }
0x77: {  	v11 =	vadd.s32 s5, v8;
	_ =	sdelay $0x2  }
0x78: {  	v9 =	vadd.f32 v10, v9;
	_ =	sdelay $0x1  }
0x79: {  	s7 =	rddreg [dreg:$0x6];
	[tilespmem:v11+s1+$0x0] =	vst.idx.msk $0xffff, v9  }
0x7a: {  	[hbm4b:s7+s28] =	stream.strided.scatter [tilespmem:s1], [sflag:$0x2], $0x1F40, s0, s28, $0x38;
	[tilespmem:$0xCB20] =	vst v63  }
0x7b: {  	_ =	swait.ge [sflag:s26], $0x1F40  }
0x7c: {  	[sflag:s26] =	ssyncset.done $0x0  }
0x7d: {  	s6 =	rddreg [dreg:$0x7];
	[sflag:s26] =	ssyncadd.s32 $0xFFFFE0C0  }
0x7e: {  	[hbm4b:s6+s28] =	stream.strided.scatter [tilespmem:s3], [sflag:$0x2], $0x1F40, s0, s28, $0x38;
	[tilespmem:$0xCB20] =	vst v63  }
0x7f: {  	_ =	swait.ge [sflag:s26], $0x1F40  }
0x80: {  	[sflag:s26] =	ssyncset.done $0x0  }
0x81: {  	s6 =	simm.s32 $0x0;
	s7 =	rddreg [dreg:$0x8];
	[sflag:s26] =	ssyncadd.s32 $0xFFFFE0C0  }
0x82: {  	[tilespmem:s6], [sflag:$0x2] =	stream.linear.gather [hbm4b:s7+s6], $0x7D0, $0x38;
	[tilespmem:$0xCB20] =	vst v63  }
0x83: {  	_ =	swait.ge [sflag:s26], $0x7D0  }
0x84: {  	[sflag:s26] =	ssyncset.done $0x0  }
0x85: {  	[sflag:s26] =	ssyncadd.s32 $0xFFFFF830  }
0x86: {  	[tilespmem:s28], [sflag:$0x2] =	stream.linear.gather [hbm4b:s8+s6], $0x7D0, $0x38;
	[tilespmem:$0xCB20] =	vst v63  }
0x87: {  	_ =	swait.ge [sflag:s26], $0x7D0  }
0x88: {  	[sflag:s26] =	ssyncset.done $0x0  }
0x89: {  	[sflag:s26] =	ssyncadd.s32 $0xFFFFF830  }
0x8a: {  	[tilespmem:s29], [sflag:$0x1] =	stream.indirect.gather [hbm4b:s23+s28], $0x8, s6, s28, $0xb8;
	[tilespmem:$0xCB20] =	vst v63  }
0x8b: {  	v9 =	vmov s6  }
0x8c: {  	v9 =	vshll.u32 v9, $0x3;
	[tilespmem:s30], [sflag:$0x1] =	stream.indirect.gather [hbm4b:s24+s28], $0x8, s28, s28, $0xb8;
	[tilespmem:$0xCB20] =	vst v63  }
0x8d: {  	v10 =	vor.u32 v0, v9;
	_ =	swait.ge [sflag:s31], $0x3E80  }
0x8e: {  	v10 =	vor.u32 v4, v10;
	[sflag:s31] =	ssyncset.done $0x0  }
0x8f: {  	[sflag:s31] =	ssyncadd.s32 $0xFFFFC180  }
0x90: {  	_ =	swait.ge [sflag:s31], $0x3E80  }
0x91: {  	[sflag:s31] =	ssyncset.done $0x0  }
0x92: {  	[sflag:s31] =	ssyncadd.s32 $0xFFFFC180  }
0x93: {  	v11 =	vld.idx.msk [tilespmem:v10+s29+$0x0], $0xffff  }
0x94: {  	v10 =	vld.idx.msk [tilespmem:v10+s30+$0x0], $0xffff;
	_ =	sdelay $0x1  }
0x95: {  	v13 =	vadd.s32 s6, v5;
	v12 =	vor.u32 v3, v9  }
0x96: {  	v12 =	vor.u32 v4, v12;
	_ =	sdelay $0x1  }
0x97: {  	v10 =	vadd.f32 v10, v11;
	_ =	sdelay $0x1  }
0x98: {  	[tilespmem:v13+s1+$0x0] =	vst.idx.msk $0xffff, v10  }
0x99: {  	v10 =	vld.idx.msk [tilespmem:v12+s29+$0x0], $0xffff  }
0x9a: {  	v11 =	vld.idx.msk [tilespmem:v12+s30+$0x0], $0xffff;
	_ =	sdelay $0x1  }
0x9b: {  	v13 =	vadd.s32 s6, v6;
	v12 =	vor.u32 v2, v9  }
0x9c: {  	v12 =	vor.u32 v4, v12;
	_ =	sdelay $0x1  }
0x9d: {  	v10 =	vadd.f32 v11, v10;
	_ =	sdelay $0x1  }
0x9e: {  	[tilespmem:v13+s1+$0x0] =	vst.idx.msk $0xffff, v10  }
0x9f: {  	v10 =	vld.idx.msk [tilespmem:v12+s29+$0x0], $0xffff  }
0xa0: {  	v11 =	vld.idx.msk [tilespmem:v12+s30+$0x0], $0xffff;
	_ =	sdelay $0x1  }
0xa1: {  	v9 =	vor.u32 v1, v9;
	v12 =	vadd.s32 s6, v7  }
0xa2: {  	v9 =	vor.u32 v4, v9;
	_ =	sdelay $0x1  }
0xa3: {  	v10 =	vadd.f32 v11, v10;
	_ =	sdelay $0x1  }
0xa4: {  	[tilespmem:v12+s1+$0x0] =	vst.idx.msk $0xffff, v10  }
0xa5: {  	s5 =	simm.s32 $0x8;
	v13 =	vld.idx.msk [tilespmem:v9+s29+$0x0], $0xffff  }
0xa6: {  	v11 =	vmov s5;
	v14 =	vld.idx.msk [tilespmem:v9+s30+$0x0], $0xffff  }
0xa7: {  	v11 =	vshll.u32 v11, $0x3;
	v10 =	vadd.s32 s6, v8  }
0xa8: {  	s6 =	simm.s32 $0x10;
	v15 =	vor.u32 v0, v11;
	v12 =	vor.u32 v3, v11;
	v9 =	vor.u32 v2, v11  }
.LBB2_4:
0xa9: {  	p0 =	sne.s32 s6, $0x7C8;
	v15 =	vor.u32 v4, v15;
	v11 =	vor.u32 v1, v11;
	s7 =	smov.u32 s6;
	s6 =	sadd.s32 $0x8, s6  }
0xaa: {  	_ = 	snop  }
0xab: {  	v13 =	vadd.f32 v14, v13;
	_ =	sdelay $0x1  }
0xac: {  	[tilespmem:v10+s1+$0x0] =	vst.idx.msk $0xffff, v13  }
0xad: {  	v10 =	vld.idx.msk [tilespmem:v15+s29+$0x0], $0xffff  }
0xae: {  	v13 =	vld.idx.msk [tilespmem:v15+s30+$0x0], $0xffff;
	_ =	sdelay $0x1  }
0xaf: {  	v14 =	vadd.s32 s5, v5;
	_ =	sdelay $0x1  }
0xb0: {  	v12 =	vor.u32 v4, v12;
	_ =	sdelay $0x1  }
0xb1: {  	v10 =	vadd.f32 v13, v10;
	_ =	sdelay $0x1  }
0xb2: {  	[tilespmem:v14+s1+$0x0] =	vst.idx.msk $0xffff, v10  }
0xb3: {  	v10 =	vld.idx.msk [tilespmem:v12+s29+$0x0], $0xffff  }
0xb4: {  	v12 =	vld.idx.msk [tilespmem:v12+s30+$0x0], $0xffff  }
0xb5: {  	v13 =	vadd.s32 s5, v6;
	_ =	sdelay $0x2  }
0xb6: {  	v9 =	vor.u32 v4, v9;
	_ =	sdelay $0x1  }
0xb7: {  	v10 =	vadd.f32 v12, v10;
	_ =	sdelay $0x1  }
0xb8: {  	[tilespmem:v13+s1+$0x0] =	vst.idx.msk $0xffff, v10  }
0xb9: {  	v10 =	vld.idx.msk [tilespmem:v9+s29+$0x0], $0xffff  }
0xba: {  	v12 =	vadd.s32 s5, v7;
	v9 =	vld.idx.msk [tilespmem:v9+s30+$0x0], $0xffff;
	_ =	sdelay $0x3  }
0xbb: {  	v11 =	vor.u32 v4, v11;
	_ =	sdelay $0x1  }
0xbc: {  	v9 =	vadd.f32 v9, v10;
	_ =	sdelay $0x1  }
0xbd: {  	[tilespmem:v12+s1+$0x0] =	vst.idx.msk $0xffff, v9  }
.Ltmp1:
0xbe: {  	v10 =	vadd.s32 s5, v8;
	s5 =	smov.u32 s7;
	v13 =	vld.idx.msk [tilespmem:v11+s29+$0x0], $0xffff;
	(pc) =	sbr.rel @p0 .LBB2_4-.Ltmp1, $4  }
0xbf: {  	v14 =	vld.idx.msk [tilespmem:v11+s30+$0x0], $0xffff  }
0xc0: {  	v9 =	vmov s5  }
0xc1: {  	v11 =	vshll.u32 v9, $0x3  }
0xc2: {  	v15 =	vor.u32 v0, v11;
	v12 =	vor.u32 v3, v11;
	v9 =	vor.u32 v2, v11  }
0xc3: {  	v15 =	vor.u32 v4, v15;
	_ =	sdelay $0x1  }
0xc4: {  	v13 =	vadd.f32 v14, v13;
	_ =	sdelay $0x1  }
0xc5: {  	[tilespmem:v10+s1+$0x0] =	vst.idx.msk $0xffff, v13  }
0xc6: {  	v10 =	vld.idx.msk [tilespmem:v15+s29+$0x0], $0xffff  }
0xc7: {  	v13 =	vld.idx.msk [tilespmem:v15+s30+$0x0], $0xffff;
	_ =	sdelay $0x1  }
0xc8: {  	v14 =	vadd.s32 s5, v5  }
0xc9: {  	v12 =	vor.u32 v4, v12;
	_ =	sdelay $0x1  }
0xca: {  	v10 =	vadd.f32 v13, v10;
	_ =	sdelay $0x1  }
0xcb: {  	[tilespmem:v14+s1+$0x0] =	vst.idx.msk $0xffff, v10  }
0xcc: {  	v10 =	vld.idx.msk [tilespmem:v12+s29+$0x0], $0xffff  }
0xcd: {  	v12 =	vld.idx.msk [tilespmem:v12+s30+$0x0], $0xffff;
	_ =	sdelay $0x1  }
0xce: {  	v13 =	vadd.s32 s5, v6  }
0xcf: {  	v9 =	vor.u32 v4, v9;
	_ =	sdelay $0x1  }
0xd0: {  	v10 =	vadd.f32 v12, v10;
	_ =	sdelay $0x1  }
0xd1: {  	[tilespmem:v13+s1+$0x0] =	vst.idx.msk $0xffff, v10  }
0xd2: {  	v10 =	vld.idx.msk [tilespmem:v9+s29+$0x0], $0xffff  }
0xd3: {  	v9 =	vld.idx.msk [tilespmem:v9+s30+$0x0], $0xffff;
	_ =	sdelay $0x1  }
0xd4: {  	v11 =	vor.u32 v1, v11;
	v12 =	vadd.s32 s5, v7  }
0xd5: {  	v11 =	vor.u32 v4, v11;
	_ =	sdelay $0x1  }
0xd6: {  	v9 =	vadd.f32 v9, v10;
	_ =	sdelay $0x1  }
0xd7: {  	[tilespmem:v12+s1+$0x0] =	vst.idx.msk $0xffff, v9  }
0xd8: {  	v9 =	vld.idx.msk [tilespmem:v11+s29+$0x0], $0xffff  }
0xd9: {  	v10 =	vld.idx.msk [tilespmem:v11+s30+$0x0], $0xffff;
	_ =	sdelay $0x1  }
0xda: {  	v11 =	vadd.s32 s5, v8;
	_ =	sdelay $0x2  }
0xdb: {  	v9 =	vadd.f32 v10, v9;
	_ =	sdelay $0x1  }
0xdc: {  	[tilespmem:v11+s1+$0x0] =	vst.idx.msk $0xffff, v9  }
0xdd: {  	[hbm4b:s9+s28] =	stream.strided.scatter [tilespmem:s1], [sflag:$0x2], $0x1F40, s0, s28, $0x38;
	[tilespmem:$0xCB20] =	vst v63  }
0xde: {  	_ =	swait.ge [sflag:s26], $0x1F40  }
0xdf: {  	[sflag:s26] =	ssyncset.done $0x0  }
0xe0: {  	[sflag:s26] =	ssyncadd.s32 $0xFFFFE0C0  }
0xe1: {  	[hbm4b:s10+s28] =	stream.strided.scatter [tilespmem:s3], [sflag:$0x2], $0x1F40, s0, s28, $0x38;
	[tilespmem:$0xCB20] =	vst v63  }
0xe2: {  	_ =	swait.ge [sflag:s26], $0x1F40  }
0xe3: {  	[sflag:s26] =	ssyncset.done $0x0  }
0xe4: {  	s6 =	simm.s32 $0x0;
	[sflag:s26] =	ssyncadd.s32 $0xFFFFE0C0  }
0xe5: {  	[tilespmem:s6], [sflag:$0x2] =	stream.linear.gather [hbm4b:s11+s6], $0x7D0, $0x38;
	[tilespmem:$0xCB20] =	vst v63  }
0xe6: {  	_ =	swait.ge [sflag:s26], $0x7D0  }
0xe7: {  	[sflag:s26] =	ssyncset.done $0x0  }
0xe8: {  	[sflag:s26] =	ssyncadd.s32 $0xFFFFF830  }
0xe9: {  	[tilespmem:s28], [sflag:$0x2] =	stream.linear.gather [hbm4b:s12+s6], $0x7D0, $0x38;
	[tilespmem:$0xCB20] =	vst v63  }
0xea: {  	_ =	swait.ge [sflag:s26], $0x7D0  }
0xeb: {  	[sflag:s26] =	ssyncset.done $0x0  }
0xec: {  	[sflag:s26] =	ssyncadd.s32 $0xFFFFF830  }
0xed: {  	[tilespmem:s29], [sflag:$0x1] =	stream.indirect.gather [hbm4b:s23+s28], $0x8, s6, s28, $0xb8;
	[tilespmem:$0xCB20] =	vst v63  }
0xee: {  	v9 =	vmov s6  }
0xef: {  	v9 =	vshll.u32 v9, $0x3;
	[tilespmem:s30], [sflag:$0x1] =	stream.indirect.gather [hbm4b:s24+s28], $0x8, s28, s28, $0xb8;
	[tilespmem:$0xCB20] =	vst v63  }
0xf0: {  	v10 =	vor.u32 v0, v9;
	_ =	swait.ge [sflag:s31], $0x3E80  }
0xf1: {  	v10 =	vor.u32 v4, v10;
	[sflag:s31] =	ssyncset.done $0x0  }
0xf2: {  	[sflag:s31] =	ssyncadd.s32 $0xFFFFC180  }
0xf3: {  	_ =	swait.ge [sflag:s31], $0x3E80  }
0xf4: {  	[sflag:s31] =	ssyncset.done $0x0  }
0xf5: {  	[sflag:s31] =	ssyncadd.s32 $0xFFFFC180  }
0xf6: {  	v11 =	vld.idx.msk [tilespmem:v10+s29+$0x0], $0xffff  }
0xf7: {  	v10 =	vld.idx.msk [tilespmem:v10+s30+$0x0], $0xffff;
	_ =	sdelay $0x1  }
0xf8: {  	v13 =	vadd.s32 s6, v5;
	v12 =	vor.u32 v3, v9  }
0xf9: {  	v12 =	vor.u32 v4, v12;
	_ =	sdelay $0x1  }
0xfa: {  	v10 =	vadd.f32 v10, v11;
	_ =	sdelay $0x1  }
0xfb: {  	[tilespmem:v13+s1+$0x0] =	vst.idx.msk $0xffff, v10  }
0xfc: {  	v10 =	vld.idx.msk [tilespmem:v12+s29+$0x0], $0xffff  }
0xfd: {  	v11 =	vld.idx.msk [tilespmem:v12+s30+$0x0], $0xffff;
	_ =	sdelay $0x1  }
0xfe: {  	v13 =	vadd.s32 s6, v6;
	v12 =	vor.u32 v2, v9  }
0xff: {  	v12 =	vor.u32 v4, v12;
	_ =	sdelay $0x1  }
0x100: {  	v10 =	vadd.f32 v11, v10;
	_ =	sdelay $0x1  }
0x101: {  	[tilespmem:v13+s1+$0x0] =	vst.idx.msk $0xffff, v10  }
0x102: {  	v10 =	vld.idx.msk [tilespmem:v12+s29+$0x0], $0xffff  }
0x103: {  	v11 =	vld.idx.msk [tilespmem:v12+s30+$0x0], $0xffff;
	_ =	sdelay $0x1  }
0x104: {  	v9 =	vor.u32 v1, v9;
	v12 =	vadd.s32 s6, v7  }
0x105: {  	v9 =	vor.u32 v4, v9;
	_ =	sdelay $0x1  }
0x106: {  	v10 =	vadd.f32 v11, v10;
	_ =	sdelay $0x1  }
0x107: {  	[tilespmem:v12+s1+$0x0] =	vst.idx.msk $0xffff, v10  }
0x108: {  	s5 =	simm.s32 $0x8;
	v13 =	vld.idx.msk [tilespmem:v9+s29+$0x0], $0xffff  }
0x109: {  	v11 =	vmov s5;
	v14 =	vld.idx.msk [tilespmem:v9+s30+$0x0], $0xffff  }
0x10a: {  	v11 =	vshll.u32 v11, $0x3;
	v10 =	vadd.s32 s6, v8  }
0x10b: {  	s6 =	simm.s32 $0x10;
	v15 =	vor.u32 v0, v11;
	v12 =	vor.u32 v3, v11;
	v9 =	vor.u32 v2, v11  }
.LBB2_6:
0x10c: {  	p0 =	sne.s32 s6, $0x7C8;
	v15 =	vor.u32 v4, v15;
	v11 =	vor.u32 v1, v11;
	s7 =	smov.u32 s6;
	s6 =	sadd.s32 $0x8, s6  }
0x10d: {  	_ = 	snop  }
0x10e: {  	v13 =	vadd.f32 v14, v13;
	_ =	sdelay $0x1  }
0x10f: {  	[tilespmem:v10+s1+$0x0] =	vst.idx.msk $0xffff, v13  }
0x110: {  	v10 =	vld.idx.msk [tilespmem:v15+s29+$0x0], $0xffff  }
0x111: {  	v13 =	vld.idx.msk [tilespmem:v15+s30+$0x0], $0xffff;
	_ =	sdelay $0x1  }
0x112: {  	v14 =	vadd.s32 s5, v5;
	_ =	sdelay $0x1  }
0x113: {  	v12 =	vor.u32 v4, v12;
	_ =	sdelay $0x1  }
0x114: {  	v10 =	vadd.f32 v13, v10;
	_ =	sdelay $0x1  }
0x115: {  	[tilespmem:v14+s1+$0x0] =	vst.idx.msk $0xffff, v10  }
0x116: {  	v10 =	vld.idx.msk [tilespmem:v12+s29+$0x0], $0xffff  }
0x117: {  	v12 =	vld.idx.msk [tilespmem:v12+s30+$0x0], $0xffff  }
0x118: {  	v13 =	vadd.s32 s5, v6;
	_ =	sdelay $0x2  }
0x119: {  	v9 =	vor.u32 v4, v9;
	_ =	sdelay $0x1  }
0x11a: {  	v10 =	vadd.f32 v12, v10;
	_ =	sdelay $0x1  }
0x11b: {  	[tilespmem:v13+s1+$0x0] =	vst.idx.msk $0xffff, v10  }
0x11c: {  	v10 =	vld.idx.msk [tilespmem:v9+s29+$0x0], $0xffff  }
0x11d: {  	v12 =	vadd.s32 s5, v7;
	v9 =	vld.idx.msk [tilespmem:v9+s30+$0x0], $0xffff;
	_ =	sdelay $0x3  }
0x11e: {  	v11 =	vor.u32 v4, v11;
	_ =	sdelay $0x1  }
0x11f: {  	v9 =	vadd.f32 v9, v10;
	_ =	sdelay $0x1  }
0x120: {  	[tilespmem:v12+s1+$0x0] =	vst.idx.msk $0xffff, v9  }
.Ltmp2:
0x121: {  	v10 =	vadd.s32 s5, v8;
	s5 =	smov.u32 s7;
	v13 =	vld.idx.msk [tilespmem:v11+s29+$0x0], $0xffff;
	(pc) =	sbr.rel @p0 .LBB2_6-.Ltmp2, $4  }
0x122: {  	v14 =	vld.idx.msk [tilespmem:v11+s30+$0x0], $0xffff  }
0x123: {  	v9 =	vmov s5  }
0x124: {  	v11 =	vshll.u32 v9, $0x3  }
0x125: {  	v15 =	vor.u32 v0, v11;
	v12 =	vor.u32 v3, v11;
	v9 =	vor.u32 v2, v11  }
0x126: {  	v15 =	vor.u32 v4, v15;
	_ =	sdelay $0x1  }
0x127: {  	v13 =	vadd.f32 v14, v13;
	_ =	sdelay $0x1  }
0x128: {  	[tilespmem:v10+s1+$0x0] =	vst.idx.msk $0xffff, v13  }
0x129: {  	v10 =	vld.idx.msk [tilespmem:v15+s29+$0x0], $0xffff  }
0x12a: {  	v13 =	vld.idx.msk [tilespmem:v15+s30+$0x0], $0xffff;
	_ =	sdelay $0x1  }
0x12b: {  	v14 =	vadd.s32 s5, v5  }
0x12c: {  	v12 =	vor.u32 v4, v12;
	_ =	sdelay $0x1  }
0x12d: {  	v10 =	vadd.f32 v13, v10;
	_ =	sdelay $0x1  }
0x12e: {  	[tilespmem:v14+s1+$0x0] =	vst.idx.msk $0xffff, v10  }
0x12f: {  	v10 =	vld.idx.msk [tilespmem:v12+s29+$0x0], $0xffff  }
0x130: {  	v12 =	vld.idx.msk [tilespmem:v12+s30+$0x0], $0xffff;
	_ =	sdelay $0x1  }
0x131: {  	v13 =	vadd.s32 s5, v6  }
0x132: {  	v9 =	vor.u32 v4, v9;
	_ =	sdelay $0x1  }
0x133: {  	v10 =	vadd.f32 v12, v10;
	_ =	sdelay $0x1  }
0x134: {  	[tilespmem:v13+s1+$0x0] =	vst.idx.msk $0xffff, v10  }
0x135: {  	v10 =	vld.idx.msk [tilespmem:v9+s29+$0x0], $0xffff  }
0x136: {  	v9 =	vld.idx.msk [tilespmem:v9+s30+$0x0], $0xffff;
	_ =	sdelay $0x1  }
0x137: {  	v11 =	vor.u32 v1, v11;
	v12 =	vadd.s32 s5, v7  }
0x138: {  	v11 =	vor.u32 v4, v11;
	_ =	sdelay $0x1  }
0x139: {  	v9 =	vadd.f32 v9, v10;
	_ =	sdelay $0x1  }
0x13a: {  	[tilespmem:v12+s1+$0x0] =	vst.idx.msk $0xffff, v9  }
0x13b: {  	v9 =	vld.idx.msk [tilespmem:v11+s29+$0x0], $0xffff  }
0x13c: {  	v10 =	vld.idx.msk [tilespmem:v11+s30+$0x0], $0xffff;
	_ =	sdelay $0x1  }
0x13d: {  	v11 =	vadd.s32 s5, v8;
	_ =	sdelay $0x2  }
0x13e: {  	v9 =	vadd.f32 v10, v9;
	_ =	sdelay $0x1  }
0x13f: {  	[tilespmem:v11+s1+$0x0] =	vst.idx.msk $0xffff, v9  }
0x140: {  	[hbm4b:s13+s28] =	stream.strided.scatter [tilespmem:s1], [sflag:$0x2], $0x1F40, s0, s28, $0x38;
	[tilespmem:$0xCB20] =	vst v63  }
0x141: {  	_ =	swait.ge [sflag:s26], $0x1F40  }
0x142: {  	[sflag:s26] =	ssyncset.done $0x0  }
0x143: {  	[sflag:s26] =	ssyncadd.s32 $0xFFFFE0C0  }
0x144: {  	[hbm4b:s14+s28] =	stream.strided.scatter [tilespmem:s3], [sflag:$0x2], $0x1F40, s0, s28, $0x38;
	[tilespmem:$0xCB20] =	vst v63  }
0x145: {  	_ =	swait.ge [sflag:s26], $0x1F40  }
0x146: {  	[sflag:s26] =	ssyncset.done $0x0  }
0x147: {  	s6 =	simm.s32 $0x0;
	[sflag:s26] =	ssyncadd.s32 $0xFFFFE0C0  }
0x148: {  	[tilespmem:s6], [sflag:$0x2] =	stream.linear.gather [hbm4b:s15+s6], $0x7D0, $0x38;
	[tilespmem:$0xCB20] =	vst v63  }
0x149: {  	_ =	swait.ge [sflag:s26], $0x7D0  }
0x14a: {  	[sflag:s26] =	ssyncset.done $0x0  }
0x14b: {  	[sflag:s26] =	ssyncadd.s32 $0xFFFFF830  }
0x14c: {  	[tilespmem:s28], [sflag:$0x2] =	stream.linear.gather [hbm4b:s16+s6], $0x7D0, $0x38;
	[tilespmem:$0xCB20] =	vst v63  }
0x14d: {  	_ =	swait.ge [sflag:s26], $0x7D0  }
0x14e: {  	[sflag:s26] =	ssyncset.done $0x0  }
0x14f: {  	[sflag:s26] =	ssyncadd.s32 $0xFFFFF830  }
0x150: {  	[tilespmem:s29], [sflag:$0x1] =	stream.indirect.gather [hbm4b:s23+s28], $0x8, s6, s28, $0xb8;
	[tilespmem:$0xCB20] =	vst v63  }
0x151: {  	v9 =	vmov s6  }
0x152: {  	v9 =	vshll.u32 v9, $0x3;
	[tilespmem:s30], [sflag:$0x1] =	stream.indirect.gather [hbm4b:s24+s28], $0x8, s28, s28, $0xb8;
	[tilespmem:$0xCB20] =	vst v63  }
0x153: {  	v10 =	vor.u32 v0, v9;
	_ =	swait.ge [sflag:s31], $0x3E80  }
0x154: {  	v10 =	vor.u32 v4, v10;
	[sflag:s31] =	ssyncset.done $0x0  }
0x155: {  	[sflag:s31] =	ssyncadd.s32 $0xFFFFC180  }
0x156: {  	_ =	swait.ge [sflag:s31], $0x3E80  }
0x157: {  	[sflag:s31] =	ssyncset.done $0x0  }
0x158: {  	[sflag:s31] =	ssyncadd.s32 $0xFFFFC180  }
0x159: {  	v11 =	vld.idx.msk [tilespmem:v10+s29+$0x0], $0xffff  }
0x15a: {  	v10 =	vld.idx.msk [tilespmem:v10+s30+$0x0], $0xffff;
	_ =	sdelay $0x1  }
0x15b: {  	v13 =	vadd.s32 s6, v5;
	v12 =	vor.u32 v3, v9  }
0x15c: {  	v12 =	vor.u32 v4, v12;
	_ =	sdelay $0x1  }
0x15d: {  	v10 =	vadd.f32 v10, v11;
	_ =	sdelay $0x1  }
0x15e: {  	[tilespmem:v13+s1+$0x0] =	vst.idx.msk $0xffff, v10  }
0x15f: {  	v10 =	vld.idx.msk [tilespmem:v12+s29+$0x0], $0xffff  }
0x160: {  	v11 =	vld.idx.msk [tilespmem:v12+s30+$0x0], $0xffff;
	_ =	sdelay $0x1  }
0x161: {  	v13 =	vadd.s32 s6, v6;
	v12 =	vor.u32 v2, v9  }
0x162: {  	v12 =	vor.u32 v4, v12;
	_ =	sdelay $0x1  }
0x163: {  	v10 =	vadd.f32 v11, v10;
	_ =	sdelay $0x1  }
0x164: {  	[tilespmem:v13+s1+$0x0] =	vst.idx.msk $0xffff, v10  }
0x165: {  	v10 =	vld.idx.msk [tilespmem:v12+s29+$0x0], $0xffff  }
0x166: {  	v11 =	vld.idx.msk [tilespmem:v12+s30+$0x0], $0xffff;
	_ =	sdelay $0x1  }
0x167: {  	v9 =	vor.u32 v1, v9;
	v12 =	vadd.s32 s6, v7  }
0x168: {  	v9 =	vor.u32 v4, v9;
	_ =	sdelay $0x1  }
0x169: {  	v10 =	vadd.f32 v11, v10;
	_ =	sdelay $0x1  }
0x16a: {  	[tilespmem:v12+s1+$0x0] =	vst.idx.msk $0xffff, v10  }
0x16b: {  	s5 =	simm.s32 $0x8;
	v13 =	vld.idx.msk [tilespmem:v9+s29+$0x0], $0xffff  }
0x16c: {  	v11 =	vmov s5;
	v14 =	vld.idx.msk [tilespmem:v9+s30+$0x0], $0xffff  }
0x16d: {  	v11 =	vshll.u32 v11, $0x3;
	v10 =	vadd.s32 s6, v8  }
0x16e: {  	s6 =	simm.s32 $0x10;
	v15 =	vor.u32 v0, v11;
	v12 =	vor.u32 v3, v11;
	v9 =	vor.u32 v2, v11  }
.LBB2_8:
0x16f: {  	p0 =	sne.s32 s6, $0x7C8;
	v15 =	vor.u32 v4, v15;
	v11 =	vor.u32 v1, v11;
	s7 =	smov.u32 s6;
	s6 =	sadd.s32 $0x8, s6  }
0x170: {  	_ = 	snop  }
0x171: {  	v13 =	vadd.f32 v14, v13;
	_ =	sdelay $0x1  }
0x172: {  	[tilespmem:v10+s1+$0x0] =	vst.idx.msk $0xffff, v13  }
0x173: {  	v10 =	vld.idx.msk [tilespmem:v15+s29+$0x0], $0xffff  }
0x174: {  	v13 =	vld.idx.msk [tilespmem:v15+s30+$0x0], $0xffff;
	_ =	sdelay $0x1  }
0x175: {  	v14 =	vadd.s32 s5, v5;
	_ =	sdelay $0x1  }
0x176: {  	v12 =	vor.u32 v4, v12;
	_ =	sdelay $0x1  }
0x177: {  	v10 =	vadd.f32 v13, v10;
	_ =	sdelay $0x1  }
0x178: {  	[tilespmem:v14+s1+$0x0] =	vst.idx.msk $0xffff, v10  }
0x179: {  	v10 =	vld.idx.msk [tilespmem:v12+s29+$0x0], $0xffff  }
0x17a: {  	v12 =	vld.idx.msk [tilespmem:v12+s30+$0x0], $0xffff  }
0x17b: {  	v13 =	vadd.s32 s5, v6;
	_ =	sdelay $0x2  }
0x17c: {  	v9 =	vor.u32 v4, v9;
	_ =	sdelay $0x1  }
0x17d: {  	v10 =	vadd.f32 v12, v10;
	_ =	sdelay $0x1  }
0x17e: {  	[tilespmem:v13+s1+$0x0] =	vst.idx.msk $0xffff, v10  }
0x17f: {  	v10 =	vld.idx.msk [tilespmem:v9+s29+$0x0], $0xffff  }
0x180: {  	v12 =	vadd.s32 s5, v7;
	v9 =	vld.idx.msk [tilespmem:v9+s30+$0x0], $0xffff;
	_ =	sdelay $0x3  }
0x181: {  	v11 =	vor.u32 v4, v11;
	_ =	sdelay $0x1  }
0x182: {  	v9 =	vadd.f32 v9, v10;
	_ =	sdelay $0x1  }
0x183: {  	[tilespmem:v12+s1+$0x0] =	vst.idx.msk $0xffff, v9  }
.Ltmp3:
0x184: {  	v10 =	vadd.s32 s5, v8;
	s5 =	smov.u32 s7;
	v13 =	vld.idx.msk [tilespmem:v11+s29+$0x0], $0xffff;
	(pc) =	sbr.rel @p0 .LBB2_8-.Ltmp3, $4  }
0x185: {  	v14 =	vld.idx.msk [tilespmem:v11+s30+$0x0], $0xffff  }
0x186: {  	v9 =	vmov s5  }
0x187: {  	v11 =	vshll.u32 v9, $0x3  }
0x188: {  	v15 =	vor.u32 v0, v11;
	v12 =	vor.u32 v3, v11;
	v9 =	vor.u32 v2, v11  }
0x189: {  	v15 =	vor.u32 v4, v15;
	_ =	sdelay $0x1  }
0x18a: {  	v13 =	vadd.f32 v14, v13;
	_ =	sdelay $0x1  }
0x18b: {  	[tilespmem:v10+s1+$0x0] =	vst.idx.msk $0xffff, v13  }
0x18c: {  	v10 =	vld.idx.msk [tilespmem:v15+s29+$0x0], $0xffff  }
0x18d: {  	v13 =	vld.idx.msk [tilespmem:v15+s30+$0x0], $0xffff;
	_ =	sdelay $0x1  }
0x18e: {  	v14 =	vadd.s32 s5, v5  }
0x18f: {  	v12 =	vor.u32 v4, v12;
	_ =	sdelay $0x1  }
0x190: {  	v10 =	vadd.f32 v13, v10;
	_ =	sdelay $0x1  }
0x191: {  	[tilespmem:v14+s1+$0x0] =	vst.idx.msk $0xffff, v10  }
0x192: {  	v10 =	vld.idx.msk [tilespmem:v12+s29+$0x0], $0xffff  }
0x193: {  	v12 =	vld.idx.msk [tilespmem:v12+s30+$0x0], $0xffff;
	_ =	sdelay $0x1  }
0x194: {  	v13 =	vadd.s32 s5, v6  }
0x195: {  	v9 =	vor.u32 v4, v9;
	_ =	sdelay $0x1  }
0x196: {  	v10 =	vadd.f32 v12, v10;
	_ =	sdelay $0x1  }
0x197: {  	[tilespmem:v13+s1+$0x0] =	vst.idx.msk $0xffff, v10  }
0x198: {  	v10 =	vld.idx.msk [tilespmem:v9+s29+$0x0], $0xffff  }
0x199: {  	v9 =	vld.idx.msk [tilespmem:v9+s30+$0x0], $0xffff;
	_ =	sdelay $0x1  }
0x19a: {  	v11 =	vor.u32 v1, v11;
	v12 =	vadd.s32 s5, v7  }
0x19b: {  	v11 =	vor.u32 v4, v11;
	_ =	sdelay $0x1  }
0x19c: {  	v9 =	vadd.f32 v9, v10;
	_ =	sdelay $0x1  }
0x19d: {  	[tilespmem:v12+s1+$0x0] =	vst.idx.msk $0xffff, v9  }
0x19e: {  	v9 =	vld.idx.msk [tilespmem:v11+s29+$0x0], $0xffff  }
0x19f: {  	v10 =	vld.idx.msk [tilespmem:v11+s30+$0x0], $0xffff;
	_ =	sdelay $0x1  }
0x1a0: {  	v11 =	vadd.s32 s5, v8;
	_ =	sdelay $0x2  }
0x1a1: {  	v9 =	vadd.f32 v10, v9;
	_ =	sdelay $0x1  }
0x1a2: {  	[tilespmem:v11+s1+$0x0] =	vst.idx.msk $0xffff, v9  }
0x1a3: {  	[hbm4b:s17+s28] =	stream.strided.scatter [tilespmem:s1], [sflag:$0x2], $0x1F40, s0, s28, $0x38;
	[tilespmem:$0xCB20] =	vst v63  }
0x1a4: {  	_ =	swait.ge [sflag:s26], $0x1F40  }
0x1a5: {  	[sflag:s26] =	ssyncset.done $0x0  }
0x1a6: {  	[sflag:s26] =	ssyncadd.s32 $0xFFFFE0C0  }
0x1a7: {  	[hbm4b:s18+s28] =	stream.strided.scatter [tilespmem:s3], [sflag:$0x2], $0x1F40, s0, s28, $0x38;
	[tilespmem:$0xCB20] =	vst v63  }
0x1a8: {  	_ =	swait.ge [sflag:s26], $0x1F40  }
0x1a9: {  	[sflag:s26] =	ssyncset.done $0x0  }
0x1aa: {  	s6 =	simm.s32 $0x0;
	[sflag:s26] =	ssyncadd.s32 $0xFFFFE0C0  }
0x1ab: {  	[tilespmem:s6], [sflag:$0x2] =	stream.linear.gather [hbm4b:s19+s6], $0x7D0, $0x38;
	[tilespmem:$0xCB20] =	vst v63  }
0x1ac: {  	_ =	swait.ge [sflag:s26], $0x7D0  }
0x1ad: {  	[sflag:s26] =	ssyncset.done $0x0  }
0x1ae: {  	[sflag:s26] =	ssyncadd.s32 $0xFFFFF830  }
0x1af: {  	[tilespmem:s28], [sflag:$0x2] =	stream.linear.gather [hbm4b:s20+s6], $0x7D0, $0x38;
	[tilespmem:$0xCB20] =	vst v63  }
0x1b0: {  	_ =	swait.ge [sflag:s26], $0x7D0  }
0x1b1: {  	[sflag:s26] =	ssyncset.done $0x0  }
0x1b2: {  	[sflag:s26] =	ssyncadd.s32 $0xFFFFF830  }
0x1b3: {  	[tilespmem:s29], [sflag:$0x1] =	stream.indirect.gather [hbm4b:s23+s28], $0x8, s6, s28, $0xb8;
	[tilespmem:$0xCB20] =	vst v63  }
0x1b4: {  	v9 =	vmov s6  }
0x1b5: {  	v9 =	vshll.u32 v9, $0x3;
	[tilespmem:s30], [sflag:$0x1] =	stream.indirect.gather [hbm4b:s24+s28], $0x8, s28, s28, $0xb8;
	[tilespmem:$0xCB20] =	vst v63  }
0x1b6: {  	v10 =	vor.u32 v0, v9;
	_ =	swait.ge [sflag:s31], $0x3E80  }
0x1b7: {  	v10 =	vor.u32 v4, v10;
	[sflag:s31] =	ssyncset.done $0x0  }
0x1b8: {  	[sflag:s31] =	ssyncadd.s32 $0xFFFFC180  }
0x1b9: {  	_ =	swait.ge [sflag:s31], $0x3E80  }
0x1ba: {  	[sflag:s31] =	ssyncset.done $0x0  }
0x1bb: {  	[sflag:s31] =	ssyncadd.s32 $0xFFFFC180  }
0x1bc: {  	v11 =	vld.idx.msk [tilespmem:v10+s29+$0x0], $0xffff  }
0x1bd: {  	v10 =	vld.idx.msk [tilespmem:v10+s30+$0x0], $0xffff;
	_ =	sdelay $0x1  }
0x1be: {  	v13 =	vadd.s32 s6, v5;
	v12 =	vor.u32 v3, v9  }
0x1bf: {  	v12 =	vor.u32 v4, v12;
	_ =	sdelay $0x1  }
0x1c0: {  	v10 =	vadd.f32 v10, v11;
	_ =	sdelay $0x1  }
0x1c1: {  	[tilespmem:v13+s1+$0x0] =	vst.idx.msk $0xffff, v10  }
0x1c2: {  	v10 =	vld.idx.msk [tilespmem:v12+s29+$0x0], $0xffff  }
0x1c3: {  	v11 =	vld.idx.msk [tilespmem:v12+s30+$0x0], $0xffff;
	_ =	sdelay $0x1  }
0x1c4: {  	v13 =	vadd.s32 s6, v6;
	v12 =	vor.u32 v2, v9  }
0x1c5: {  	v12 =	vor.u32 v4, v12;
	_ =	sdelay $0x1  }
0x1c6: {  	v10 =	vadd.f32 v11, v10;
	_ =	sdelay $0x1  }
0x1c7: {  	[tilespmem:v13+s1+$0x0] =	vst.idx.msk $0xffff, v10  }
0x1c8: {  	v10 =	vld.idx.msk [tilespmem:v12+s29+$0x0], $0xffff  }
0x1c9: {  	v11 =	vld.idx.msk [tilespmem:v12+s30+$0x0], $0xffff;
	_ =	sdelay $0x1  }
0x1ca: {  	v9 =	vor.u32 v1, v9;
	v12 =	vadd.s32 s6, v7  }
0x1cb: {  	v9 =	vor.u32 v4, v9;
	_ =	sdelay $0x1  }
0x1cc: {  	v10 =	vadd.f32 v11, v10;
	_ =	sdelay $0x1  }
0x1cd: {  	[tilespmem:v12+s1+$0x0] =	vst.idx.msk $0xffff, v10  }
0x1ce: {  	s5 =	simm.s32 $0x8;
	v13 =	vld.idx.msk [tilespmem:v9+s29+$0x0], $0xffff  }
0x1cf: {  	v11 =	vmov s5;
	v14 =	vld.idx.msk [tilespmem:v9+s30+$0x0], $0xffff  }
0x1d0: {  	v11 =	vshll.u32 v11, $0x3;
	v10 =	vadd.s32 s6, v8  }
0x1d1: {  	s6 =	simm.s32 $0x10;
	v15 =	vor.u32 v0, v11;
	v12 =	vor.u32 v3, v11;
	v9 =	vor.u32 v2, v11  }
.LBB2_10:
0x1d2: {  	p0 =	sne.s32 s6, $0x7C8;
	v15 =	vor.u32 v4, v15;
	v11 =	vor.u32 v1, v11;
	s7 =	smov.u32 s6;
	s6 =	sadd.s32 $0x8, s6  }
0x1d3: {  	_ = 	snop  }
0x1d4: {  	v13 =	vadd.f32 v14, v13;
	_ =	sdelay $0x1  }
0x1d5: {  	[tilespmem:v10+s1+$0x0] =	vst.idx.msk $0xffff, v13  }
0x1d6: {  	v10 =	vld.idx.msk [tilespmem:v15+s29+$0x0], $0xffff  }
0x1d7: {  	v13 =	vld.idx.msk [tilespmem:v15+s30+$0x0], $0xffff;
	_ =	sdelay $0x1  }
0x1d8: {  	v14 =	vadd.s32 s5, v5;
	_ =	sdelay $0x1  }
0x1d9: {  	v12 =	vor.u32 v4, v12;
	_ =	sdelay $0x1  }
0x1da: {  	v10 =	vadd.f32 v13, v10;
	_ =	sdelay $0x1  }
0x1db: {  	[tilespmem:v14+s1+$0x0] =	vst.idx.msk $0xffff, v10  }
0x1dc: {  	v10 =	vld.idx.msk [tilespmem:v12+s29+$0x0], $0xffff  }
0x1dd: {  	v12 =	vld.idx.msk [tilespmem:v12+s30+$0x0], $0xffff  }
0x1de: {  	v13 =	vadd.s32 s5, v6;
	_ =	sdelay $0x2  }
0x1df: {  	v9 =	vor.u32 v4, v9;
	_ =	sdelay $0x1  }
0x1e0: {  	v10 =	vadd.f32 v12, v10;
	_ =	sdelay $0x1  }
0x1e1: {  	[tilespmem:v13+s1+$0x0] =	vst.idx.msk $0xffff, v10  }
0x1e2: {  	v10 =	vld.idx.msk [tilespmem:v9+s29+$0x0], $0xffff  }
0x1e3: {  	v12 =	vadd.s32 s5, v7;
	v9 =	vld.idx.msk [tilespmem:v9+s30+$0x0], $0xffff;
	_ =	sdelay $0x3  }
0x1e4: {  	v11 =	vor.u32 v4, v11;
	_ =	sdelay $0x1  }
0x1e5: {  	v9 =	vadd.f32 v9, v10;
	_ =	sdelay $0x1  }
0x1e6: {  	[tilespmem:v12+s1+$0x0] =	vst.idx.msk $0xffff, v9  }
.Ltmp4:
0x1e7: {  	v10 =	vadd.s32 s5, v8;
	s5 =	smov.u32 s7;
	v13 =	vld.idx.msk [tilespmem:v11+s29+$0x0], $0xffff;
	(pc) =	sbr.rel @p0 .LBB2_10-.Ltmp4, $4  }
0x1e8: {  	v14 =	vld.idx.msk [tilespmem:v11+s30+$0x0], $0xffff  }
0x1e9: {  	v9 =	vmov s5  }
0x1ea: {  	v11 =	vshll.u32 v9, $0x3  }
0x1eb: {  	v15 =	vor.u32 v0, v11;
	v12 =	vor.u32 v3, v11;
	v9 =	vor.u32 v2, v11  }
0x1ec: {  	v15 =	vor.u32 v4, v15;
	_ =	sdelay $0x1  }
0x1ed: {  	v13 =	vadd.f32 v14, v13;
	_ =	sdelay $0x1  }
0x1ee: {  	[tilespmem:v10+s1+$0x0] =	vst.idx.msk $0xffff, v13  }
0x1ef: {  	v10 =	vld.idx.msk [tilespmem:v15+s29+$0x0], $0xffff  }
0x1f0: {  	v13 =	vld.idx.msk [tilespmem:v15+s30+$0x0], $0xffff;
	_ =	sdelay $0x1  }
0x1f1: {  	v61 =	vadd.s32 s5, v5  }
0x1f2: {  	v12 =	vor.u32 v4, v12;
	_ =	sdelay $0x1  }
0x1f3: {  	v10 =	vadd.f32 v13, v10;
	_ =	sdelay $0x1  }
0x1f4: {  	[tilespmem:v61+s1+$0x0] =	vst.idx.msk $0xffff, v10  }
0x1f5: {  	v10 =	vld.idx.msk [tilespmem:v12+s29+$0x0], $0xffff  }
0x1f6: {  	v12 =	vld.idx.msk [tilespmem:v12+s30+$0x0], $0xffff;
	_ =	sdelay $0x1  }
0x1f7: {  	v62 =	vadd.s32 s5, v6  }
0x1f8: {  	v9 =	vor.u32 v4, v9;
	_ =	sdelay $0x1  }
0x1f9: {  	v10 =	vadd.f32 v12, v10;
	_ =	sdelay $0x1  }
0x1fa: {  	[tilespmem:v62+s1+$0x0] =	vst.idx.msk $0xffff, v10  }
0x1fb: {  	v10 =	vld.idx.msk [tilespmem:v9+s29+$0x0], $0xffff  }
0x1fc: {  	v9 =	vld.idx.msk [tilespmem:v9+s30+$0x0], $0xffff;
	_ =	sdelay $0x1  }
0x1fd: {  	v11 =	vor.u32 v1, v11;
	v63 =	vadd.s32 s5, v7  }
0x1fe: {  	v11 =	vor.u32 v4, v11;
	_ =	sdelay $0x1  }
0x1ff: {  	v9 =	vadd.f32 v9, v10;
	_ =	sdelay $0x1  }
0x200: {  	[tilespmem:v63+s1+$0x0] =	vst.idx.msk $0xffff, v9  }
0x201: {  	v9 =	vld.idx.msk [tilespmem:v11+s29+$0x0], $0xffff  }
0x202: {  	v10 =	vld.idx.msk [tilespmem:v11+s30+$0x0], $0xffff;
	_ =	sdelay $0x1  }
0x203: {  	v11 =	vadd.s32 s5, v8;
	_ =	sdelay $0x2  }
0x204: {  	v9 =	vadd.f32 v10, v9;
	_ =	sdelay $0x1  }
0x205: {  	[tilespmem:v11+s1+$0x0] =	vst.idx.msk $0xffff, v9  }
0x206: {  	[hbm4b:s21+s28] =	stream.strided.scatter [tilespmem:s1], [sflag:$0x2], $0x1F40, s0, s28, $0x38;
	[tilespmem:$0xCB20] =	vst v63  }
0x207: {  	s4 =	sadd.s32 $0x1, s4;
	_ =	swait.ge [sflag:s26], $0x1F40  }
0x208: {  	p0 =	sne.s32 s4, s25;
	[sflag:s26] =	ssyncset.done $0x0  }
.Ltmp5:
0x209: {  	[sflag:s26] =	ssyncadd.s32 $0xFFFFE0C0;
	(pc) =	sbr.rel @p0 .LBB2_1-.Ltmp5, $4  }
0x20a: {  	[hbm4b:s22+s28] =	stream.strided.scatter [tilespmem:s3], [sflag:$0x2], $0x1F40, s0, s28, $0x38;
	[tilespmem:$0xCB20] =	vst v63  }
0x20b: {  	_ =	swait.ge [sflag:s26], $0x1F40  }
0x20c: {  	[sflag:s26] =	ssyncset.done $0x0  }
0x20d: {  	[sflag:s26] =	ssyncadd.s32 $0xFFFFE0C0  }
0x20e: {  	_ =	sfence.sel $0x180000  }
0x20f: {  	[bflag:$0x0] =	sbarrier.arrive $0xFFFF  }
0x210: {  	_ =	strace $0x90000047  }
0x211: {  	s0 =	stileid.u32;
	[bflag:$0x2] =	sbarrier.arrive $0xFFFF  }
0x212: {  	p0 =	sne.s32 s0, $0x0;
	s0 =	rddreg [dreg:$0x3]  }
0x213: {  	s0 =	sadd.s32 @!p0 $0x100000, s0  }
0x214: {  	[sflag:s0] =	ssyncadd.tile.s32 @!p0 $0x1;
	_ =	shalt  }
.Lfunc_end2:
_tile_overlayer_lowered:
.L_overlay_start_2:
0x215: {  	(tag) =	ssettag $0x2  }
0x216: {  	s0 =	rddreg [dreg:$0x0];
	s2 =	stileid.u32  }
0x217: {  	s1 =	rddreg [dreg:$0x1];
	p0 =	sne.s32 s2, $0x0  }
0x218: {  	s3 =	rddreg [dreg:$0x2];
	[bflag:$0x3] =	sbarrier.arrive $0xFFFF;
	s2 =	simm.s32 @!p0 $0x1C02  }
0x219: {  	[timem:s3], [sflag:s2] =	dma.local @!p0 [hbm:s0], s1  }
0x21a: {  	s0 =	simm.s32 @!p0 $0x2  }
0x21b: {  	_ =	swait.ge @!p0 [sflag:s0], s1  }
0x21c: {  	s1 =	ssub.s32 @!p0 $0x0, s1;
	[sflag:s0] =	ssyncset.done @!p0 $0x0  }
0x21d: {  	[sflag:s0] =	ssyncadd.s32 @!p0 s1  }
0x21e: {  	[bflag:$0x3] =	sbarrier.arrive $0xFFFF  }
0x21f: {  	_ =	shalt  }

</sc_bundles>
